<compile_context>
chip_gen: v7x
topology: tpu7x:2x2x1
jax: 0.10.2.dev20260603
libtpu: 0.0.44.dev20260713+nightly
codegen_flags: <defaults>
</compile_context>

<pallas_src>
import functools

import jax
import jax.numpy as jnp
from jax import lax
from jax.experimental import pallas as pl
from jax.experimental.pallas import tpu as pltpu
from jax.experimental.pallas import tpu_sc as plsc

_N = 10000
_E = 320000
_D = 128
_NW = 32
_NCHUNK = 80
_CW = 125
_GC = 40
_NP = 10240
_NPT = _NP // 16

_mesh = plsc.VectorSubcoreMesh(core_axis_name="c", subcore_axis_name="s")



@functools.partial(
    pl.kernel,
    out_type=jax.ShapeDtypeStruct((2, _NP, _D), jnp.float32),
    mesh=_mesh,
    scratch_types=[
        pltpu.VMEM((_NCHUNK, _CW), jnp.int32),
        pltpu.VMEM((_CW, _D), jnp.float32),
        pltpu.VMEM_SHARED((_NP, _D), jnp.float32),
    ],
)
def _sc_degree(dst_hbm, ones_hbm, zeros_hbm, cnt_hbm, idx_v, ones_v, acc_sh):
    cid = lax.axis_index("c")
    sid = lax.axis_index("s")
    wid = cid * 16 + sid
    pltpu.sync_copy(dst_hbm.at[wid], idx_v)
    pltpu.sync_copy(ones_hbm, ones_v)
    pltpu.sync_copy(zeros_hbm, acc_sh.at[pl.ds(sid * _NPT, _NPT)])
    plsc.subcore_barrier()

    def body(j, carry):
        pltpu.sync_copy(ones_v, acc_sh.at[idx_v.at[j]], add=True)
        return carry

    lax.fori_loop(0, _NCHUNK, body, 0)
    plsc.subcore_barrier()
    pltpu.sync_copy(
        acc_sh.at[pl.ds(sid * _NPT, _NPT)],
        cnt_hbm.at[cid, pl.ds(sid * _NPT, _NPT)],
    )


@functools.partial(
    pl.kernel,
    out_type=jax.ShapeDtypeStruct((2, _NP, _D), jnp.float32),
    mesh=_mesh,
    scratch_types=[
        pltpu.VMEM((_GC, _CW), jnp.int32),
        pltpu.VMEM((_GC, _CW), jnp.int32),
        pltpu.VMEM((_CW, _D), jnp.float32),
        pltpu.VMEM((_CW, _D), jnp.float32),
        pltpu.VMEM_SHARED((_NP, _D), jnp.float32),
        pltpu.SemaphoreType.DMA,
        pltpu.SemaphoreType.DMA,
    ],
)
def _sc_segsum(hs_hbm, src_hbm, dst_hbm, zeros_hbm, out_hbm,
               src_v, dst_v, rows0, rows1, acc_sh, sem0, sem1):
    cid = lax.axis_index("c")
    sid = lax.axis_index("s")
    wid = cid * 16 + sid
    pltpu.sync_copy(zeros_hbm, acc_sh.at[pl.ds(sid * _NPT, _NPT)])
    plsc.subcore_barrier()

    for g in range(_NCHUNK // _GC):
        pltpu.sync_copy(src_hbm.at[wid].at[g], src_v)
        pltpu.sync_copy(dst_hbm.at[wid].at[g], dst_v)

        pltpu.async_copy(hs_hbm.at[src_v.at[0]], rows0, sem0)

        def body(jj, carry):
            j0 = 2 * jj
            pltpu.async_copy(hs_hbm.at[src_v.at[j0 + 1]], rows1, sem1)
            pltpu.make_async_copy(hs_hbm.at[src_v.at[j0]], rows0, sem0).wait()
            pltpu.sync_copy(rows0, acc_sh.at[dst_v.at[j0]], add=True)

            @pl.when(jj < _GC // 2 - 1)
            def _():
                pltpu.async_copy(hs_hbm.at[src_v.at[j0 + 2]], rows0, sem0)

            pltpu.make_async_copy(
                hs_hbm.at[src_v.at[j0 + 1]], rows1, sem1).wait()
            pltpu.sync_copy(rows1, acc_sh.at[dst_v.at[j0 + 1]], add=True)
            return carry

        lax.fori_loop(0, _GC // 2, body, 0)
    plsc.subcore_barrier()
    pltpu.sync_copy(
        acc_sh.at[pl.ds(sid * _NPT, _NPT)],
        out_hbm.at[cid, pl.ds(sid * _NPT, _NPT)],
    )



def _tc_first_body(cnt_ref, x_ref, w_ref, hs_ref, dinv_ref):
    c = cnt_ref[0, :_N, 0:1] + cnt_ref[1, :_N, 0:1]
    dinv = lax.rsqrt(1.0 + c)
    h = jnp.dot(x_ref[...], w_ref[...], preferred_element_type=jnp.float32)
    hs_ref[...] = h * dinv
    dinv_ref[...] = dinv


_tc_first = pl.pallas_call(
    _tc_first_body,
    out_shape=[
        jax.ShapeDtypeStruct((_N, _D), jnp.float32),
        jax.ShapeDtypeStruct((_N, 1), jnp.float32),
    ],
)


def _tc_mid_body(acc_ref, hs_ref, dinv_ref, b_ref, w_ref, out_ref):
    dinv = dinv_ref[...]
    pre = dinv * (acc_ref[0, :_N] + acc_ref[1, :_N] + hs_ref[...]) + b_ref[...]
    h = jnp.where(pre > 0, pre, jnp.exp(pre) - 1.0)
    out_ref[...] = jnp.dot(
        h, w_ref[...], preferred_element_type=jnp.float32) * dinv


_tc_mid = pl.pallas_call(
    _tc_mid_body,
    out_shape=jax.ShapeDtypeStruct((_N, _D), jnp.float32),
)


def _tc_last_body(acc_ref, hs_ref, dinv_ref, b_ref, out_ref):
    pre = dinv_ref[...] * (acc_ref[0, :_N] + acc_ref[1, :_N] + hs_ref[...]) + b_ref[...]
    out_ref[...] = jnp.where(pre > 0, pre, jnp.exp(pre) - 1.0)


_tc_last = pl.pallas_call(
    _tc_last_body,
    out_shape=jax.ShapeDtypeStruct((_N, _D), jnp.float32),
)



def kernel(x, edge_index, W1, b1, W2, b2):
    src = edge_index[0].reshape(_NW, _NCHUNK // _GC, _GC, _CW)
    dst = edge_index[1].reshape(_NW, _NCHUNK // _GC, _GC, _CW)
    dst3 = edge_index[1].reshape(_NW, _NCHUNK, _CW)
    onesD = jnp.ones((_CW, _D), jnp.float32)
    zerosD = jnp.zeros((_NPT, _D), jnp.float32)
    b1r = b1.reshape(1, _D)
    b2r = b2.reshape(1, _D)

    cnt = _sc_degree(dst3, onesD, zerosD)
    hs1, dinv = _tc_first(cnt, x, W1)
    acc1 = _sc_segsum(hs1, src, dst, zerosD)
    hs2 = _tc_mid(acc1, hs1, dinv, b1r, W2)
    acc2 = _sc_segsum(hs2, src, dst, zerosD)
    return _tc_last(acc2, hs2, dinv, b2r)

# --- scband reference (transcript-rebuilt; emitter-appended) ---
"""Pipeline reference for scband-gnnstack-1838246002728 (READ-ONLY COPY).

The authoritative reference and input builder live on the scoring server;
editing this copy changes nothing except your own understanding.
"""

import jax, jax.numpy as jnp
import numpy as np

N = 10000
E = 320000
D = 128


def setup_inputs(seed: int = 0) -> dict:
    key = jax.random.key(seed)
    k1, k2, k3, k4, k5, k6 = jax.random.split(key, 6)
    x = jax.random.normal(k1, (N, D), dtype=jnp.float32)
    edge_index = jax.random.randint(k2, (2, E), 0, N, dtype=jnp.int32)
    scale = 1.0 / np.sqrt(D)
    W1 = jax.random.normal(k3, (D, D), dtype=jnp.float32) * scale
    b1 = jnp.zeros((D,), dtype=jnp.float32)
    W2 = jax.random.normal(k4, (D, D), dtype=jnp.float32) * scale
    b2 = jnp.zeros((D,), dtype=jnp.float32)
    return {"x": x, "edge_index": edge_index, "W1": W1, "b1": b1, "W2": W2, "b2": b2}


def _gcn_conv(x, src, dst, W, b):
    # h = x @ W (GCNConv: linear transform first)
    h = x @ W
    n = h.shape[0]
    # degree with self-loops: deg[i] = 1 + (# edges with dst == i)
    deg = jnp.ones((n,), dtype=jnp.float32).at[dst].add(1.0)
    deg_inv_sqrt = jnp.where(deg > 0, 1.0 / jnp.sqrt(deg), 0.0)
    # normalization per edge: D^{-1/2}[src] * D^{-1/2}[dst]
    norm = deg_inv_sqrt[src] * deg_inv_sqrt[dst]
    msg = h[src] * norm[:, None]
    out = jnp.zeros_like(h).at[dst].add(msg)
    # self-loop contribution: norm = deg_inv_sqrt[i]^2
    out = out + h * (deg_inv_sqrt * deg_inv_sqrt)[:, None]
    return out + b


def reference(x, edge_index, W1, b1, W2, b2):
    src = edge_index[0]
    dst = edge_index[1]
    h = jax.nn.elu(_gcn_conv(x, src, dst, W1, b1))
    h = jax.nn.elu(_gcn_conv(h, src, dst, W2, b2))
    return h

if __name__ == "__main__":
    import jax
    _d = setup_inputs()
    print(jax.jit(kernel)(*tuple(_d.values())))

</pallas_src>

<mosaic_0001>
#map = affine_map<(d0, d1) -> (0, 0, 0)>
#map1 = affine_map<(d0, d1) -> (0, 0)>
module attributes {stable_mosaic.version = 14 : i64} {
  func.func @_sc_degree(%arg0: i32, %arg1: i32, %arg2: memref<32x80x125xi32, #tpu.memory_space<hbm>>, %arg3: memref<125x128xf32, #tpu.memory_space<hbm>>, %arg4: memref<640x128xf32, #tpu.memory_space<hbm>>, %arg5: memref<2x10240x128xf32, #tpu.memory_space<hbm>>, %arg6: memref<80x125xi32, #tpu.memory_space<vmem>>, %arg7: memref<125x128xf32, #tpu.memory_space<vmem>>, %arg8: memref<10240x128xf32, #tpu.memory_space<vmem_shared>>) attributes {dimension_semantics = [#tpu.dimension_semantics<core_parallel>, #tpu.dimension_semantics<subcore_parallel>], iteration_bounds = array<i64: 2, 16>, scalar_prefetch = 0 : i64, scratch_operands = 3 : i64, tpu.core_type = #tpu.core_type<sc_vector_subcore>, window_params = [{transform_indices = #map}, {transform_indices = #map1}, {transform_indices = #map1}, {transform_indices = #map}]} {
    %mul3A = arith.constant 16 : i32
    %mul3A_0 = arith.muli %arg0, %mul3A : i32
    %add3A = arith.addi %mul3A_0, %arg1 : i32
    "tpu.region"() ({
      %run_scoped3A = tpu.sem_alloc : memref<!tpu.dma_semaphore, #tpu.memory_space<semaphore_mem>>
      %dma_start3A = arith.constant 0 : i32
      %dma_start3A_13 = arith.constant 0 : i32
      %dma_start3A_14 = tpu.memref_slice %arg2[%add3A, %dma_start3A, %dma_start3A_13] : memref<32x80x125xi32, #tpu.memory_space<hbm>> -> memref<1x80x125xi32, #tpu.memory_space<hbm>>
      %dma_start3A_15 = tpu.memref_squeeze %dma_start3A_14 : memref<1x80x125xi32, #tpu.memory_space<hbm>> -> memref<80x125xi32, #tpu.memory_space<hbm>>
      %dma_start3A_16 = arith.constant 0 : i32
      %dma_start3A_17 = arith.constant 0 : i32
      %dma_start3A_18 = tpu.memref_slice %arg2[%add3A, %dma_start3A_16, %dma_start3A_17] : memref<32x80x125xi32, #tpu.memory_space<hbm>> -> memref<1x80x125xi32, #tpu.memory_space<hbm>>
      %dma_start3A_19 = tpu.memref_squeeze %dma_start3A_18 : memref<1x80x125xi32, #tpu.memory_space<hbm>> -> memref<80x125xi32, #tpu.memory_space<hbm>>
      tpu.enqueue_dma source(%dma_start3A_19 : memref<80x125xi32, #tpu.memory_space<hbm>>) target(%arg6 : memref<80x125xi32, #tpu.memory_space<vmem>>) target_semaphore(%run_scoped3A : memref<!tpu.dma_semaphore, #tpu.memory_space<semaphore_mem>>)
      %dma_wait3A = arith.constant 0 : i32
      %dma_wait3A_20 = arith.constant 0 : i32
      %dma_wait3A_21 = tpu.memref_slice %arg2[%add3A, %dma_wait3A, %dma_wait3A_20] : memref<32x80x125xi32, #tpu.memory_space<hbm>> -> memref<1x80x125xi32, #tpu.memory_space<hbm>>
      %dma_wait3A_22 = tpu.memref_squeeze %dma_wait3A_21 : memref<1x80x125xi32, #tpu.memory_space<hbm>> -> memref<80x125xi32, #tpu.memory_space<hbm>>
      %dma_wait3A_23 = arith.constant 0 : i32
      %dma_wait3A_24 = arith.constant 0 : i32
      %dma_wait3A_25 = tpu.memref_slice %arg2[%add3A, %dma_wait3A_23, %dma_wait3A_24] : memref<32x80x125xi32, #tpu.memory_space<hbm>> -> memref<1x80x125xi32, #tpu.memory_space<hbm>>
      %dma_wait3A_26 = tpu.memref_squeeze %dma_wait3A_25 : memref<1x80x125xi32, #tpu.memory_space<hbm>> -> memref<80x125xi32, #tpu.memory_space<hbm>>
      tpu.wait_dma2 semaphore(%run_scoped3A : memref<!tpu.dma_semaphore, #tpu.memory_space<semaphore_mem>>) src(%dma_wait3A_26 : memref<80x125xi32, #tpu.memory_space<hbm>>) dst(%arg6 : memref<80x125xi32, #tpu.memory_space<vmem>>)
      tpu.yield
    }) : () -> ()
    "tpu.region"() ({
      %run_scoped3A = tpu.sem_alloc : memref<!tpu.dma_semaphore, #tpu.memory_space<semaphore_mem>>
      tpu.enqueue_dma source(%arg3 : memref<125x128xf32, #tpu.memory_space<hbm>>) target(%arg7 : memref<125x128xf32, #tpu.memory_space<vmem>>) target_semaphore(%run_scoped3A : memref<!tpu.dma_semaphore, #tpu.memory_space<semaphore_mem>>)
      tpu.wait_dma2 semaphore(%run_scoped3A : memref<!tpu.dma_semaphore, #tpu.memory_space<semaphore_mem>>) src(%arg3 : memref<125x128xf32, #tpu.memory_space<hbm>>) dst(%arg7 : memref<125x128xf32, #tpu.memory_space<vmem>>)
      tpu.yield
    }) : () -> ()
    %mul3A_1 = arith.constant 640 : i32
    %mul3A_2 = arith.muli %arg1, %mul3A_1 : i32
    "tpu.region"() ({
      %run_scoped3A = tpu.sem_alloc : memref<!tpu.dma_semaphore, #tpu.memory_space<semaphore_mem>>
      %dma_start3A = arith.constant 0 : i32
      %dma_start3A_13 = tpu.memref_slice %arg8[%mul3A_2, %dma_start3A] : memref<10240x128xf32, #tpu.memory_space<vmem_shared>> -> memref<640x128xf32, #tpu.memory_space<vmem_shared>>
      tpu.enqueue_dma source(%arg4 : memref<640x128xf32, #tpu.memory_space<hbm>>) target(%dma_start3A_13 : memref<640x128xf32, #tpu.memory_space<vmem_shared>>) target_semaphore(%run_scoped3A : memref<!tpu.dma_semaphore, #tpu.memory_space<semaphore_mem>>)
      %dma_wait3A = arith.constant 0 : i32
      %dma_wait3A_14 = tpu.memref_slice %arg8[%mul3A_2, %dma_wait3A] : memref<10240x128xf32, #tpu.memory_space<vmem_shared>> -> memref<640x128xf32, #tpu.memory_space<vmem_shared>>
      tpu.wait_dma2 semaphore(%run_scoped3A : memref<!tpu.dma_semaphore, #tpu.memory_space<semaphore_mem>>) src(%arg4 : memref<640x128xf32, #tpu.memory_space<hbm>>) dst(%dma_wait3A_14 : memref<640x128xf32, #tpu.memory_space<vmem_shared>>)
      tpu.yield
    }) : () -> ()
    %barrier3A = arith.constant 0 : index
    tpu.barrier barrier_id(%barrier3A)
    %scan3A = arith.constant 0 : i32
    %scan3A_3 = arith.constant 0 : i32
    %scan3A_4 = arith.constant 80 : i32
    %scan3A_5 = arith.addi %scan3A_3, %scan3A_4 : i32
    %scan3A_6 = arith.constant 1 : i32
    scf.for %scan3A_13 = %scan3A_3 to %scan3A_5 step %scan3A_6  : i32 {
      "tpu.region"() ({
        %run_scoped3A = tpu.sem_alloc : memref<!tpu.dma_semaphore, #tpu.memory_space<semaphore_mem>>
        %dma_start3A = arith.constant 0 : i32
        %dma_start3A_14 = tpu.memref_slice %arg6[%scan3A_13, %dma_start3A] : memref<80x125xi32, #tpu.memory_space<vmem>> -> memref<1x125xi32, #tpu.memory_space<vmem>>
        %dma_start3A_15 = tpu.memref_squeeze %dma_start3A_14 : memref<1x125xi32, #tpu.memory_space<vmem>> -> memref<125xi32, #tpu.memory_space<vmem>>
        %dma_start3A_16 = arith.constant 0 : i32
        %dma_start3A_17 = arith.constant 0 : i32
        %dma_start3A_18 = tpu.memref_slice %arg8[%dma_start3A_16, %dma_start3A_17] : memref<10240x128xf32, #tpu.memory_space<vmem_shared>> -> memref<10240x128xf32, #tpu.memory_space<vmem_shared>>
        tpu.enqueue_indirect_dma source(%arg7 : memref<125x128xf32, #tpu.memory_space<vmem>>) target(%dma_start3A_18 : memref<10240x128xf32, #tpu.memory_space<vmem_shared>>) offsets(%dma_start3A_15 : memref<125xi32, #tpu.memory_space<vmem>>) semaphore(%run_scoped3A : memref<!tpu.dma_semaphore, #tpu.memory_space<semaphore_mem>>) {add = true}
        %dma_wait3A = arith.constant 0 : i32
        %dma_wait3A_19 = tpu.memref_slice %arg6[%scan3A_13, %dma_wait3A] : memref<80x125xi32, #tpu.memory_space<vmem>> -> memref<1x125xi32, #tpu.memory_space<vmem>>
        %dma_wait3A_20 = tpu.memref_squeeze %dma_wait3A_19 : memref<1x125xi32, #tpu.memory_space<vmem>> -> memref<125xi32, #tpu.memory_space<vmem>>
        %dma_wait3A_21 = arith.constant 0 : i32
        %dma_wait3A_22 = arith.constant 0 : i32
        %dma_wait3A_23 = tpu.memref_slice %arg8[%dma_wait3A_21, %dma_wait3A_22] : memref<10240x128xf32, #tpu.memory_space<vmem_shared>> -> memref<10240x128xf32, #tpu.memory_space<vmem_shared>>
        tpu.wait_indirect_dma semaphore(%run_scoped3A : memref<!tpu.dma_semaphore, #tpu.memory_space<semaphore_mem>>) src(%arg7 : memref<125x128xf32, #tpu.memory_space<vmem>>) dst(%dma_wait3A_23 : memref<10240x128xf32, #tpu.memory_space<vmem_shared>>)
        tpu.yield
      }) : () -> ()
    }
    %scan3A_7 = arith.constant 80 : i32
    %barrier3A_8 = arith.constant 0 : index
    tpu.barrier barrier_id(%barrier3A_8)
    %mul3A_9 = arith.constant 640 : i32
    %mul3A_10 = arith.muli %arg1, %mul3A_9 : i32
    %mul3A_11 = arith.constant 640 : i32
    %mul3A_12 = arith.muli %arg1, %mul3A_11 : i32
    "tpu.region"() ({
      %run_scoped3A = tpu.sem_alloc : memref<!tpu.dma_semaphore, #tpu.memory_space<semaphore_mem>>
      %dma_start3A = arith.constant 0 : i32
      %dma_start3A_13 = tpu.memref_slice %arg5[%arg0, %mul3A_12, %dma_start3A] : memref<2x10240x128xf32, #tpu.memory_space<hbm>> -> memref<1x640x128xf32, #tpu.memory_space<hbm>>
      %dma_start3A_14 = tpu.memref_squeeze %dma_start3A_13 : memref<1x640x128xf32, #tpu.memory_space<hbm>> -> memref<640x128xf32, #tpu.memory_space<hbm>>
      %dma_start3A_15 = arith.constant 0 : i32
      %dma_start3A_16 = tpu.memref_slice %arg8[%mul3A_10, %dma_start3A_15] : memref<10240x128xf32, #tpu.memory_space<vmem_shared>> -> memref<640x128xf32, #tpu.memory_space<vmem_shared>>
      tpu.enqueue_dma source(%dma_start3A_16 : memref<640x128xf32, #tpu.memory_space<vmem_shared>>) target(%dma_start3A_14 : memref<640x128xf32, #tpu.memory_space<hbm>>) target_semaphore(%run_scoped3A : memref<!tpu.dma_semaphore, #tpu.memory_space<semaphore_mem>>)
      %dma_wait3A = arith.constant 0 : i32
      %dma_wait3A_17 = tpu.memref_slice %arg5[%arg0, %mul3A_12, %dma_wait3A] : memref<2x10240x128xf32, #tpu.memory_space<hbm>> -> memref<1x640x128xf32, #tpu.memory_space<hbm>>
      %dma_wait3A_18 = tpu.memref_squeeze %dma_wait3A_17 : memref<1x640x128xf32, #tpu.memory_space<hbm>> -> memref<640x128xf32, #tpu.memory_space<hbm>>
      %dma_wait3A_19 = arith.constant 0 : i32
      %dma_wait3A_20 = tpu.memref_slice %arg8[%mul3A_10, %dma_wait3A_19] : memref<10240x128xf32, #tpu.memory_space<vmem_shared>> -> memref<640x128xf32, #tpu.memory_space<vmem_shared>>
      tpu.wait_dma2 semaphore(%run_scoped3A : memref<!tpu.dma_semaphore, #tpu.memory_space<semaphore_mem>>) src(%dma_wait3A_20 : memref<640x128xf32, #tpu.memory_space<vmem_shared>>) dst(%dma_wait3A_18 : memref<640x128xf32, #tpu.memory_space<hbm>>)
      tpu.yield
    }) : () -> ()
    return
  }
}

#map = affine_map<(d0, d1) -> (0, 0)>
#map1 = affine_map<(d0, d1) -> (0, 0, 0, 0)>
#map2 = affine_map<(d0, d1) -> (0, 0, 0)>
module attributes {stable_mosaic.version = 14 : i64} {
  func.func @_sc_segsum(%arg0: i32, %arg1: i32, %arg2: memref<10000x128xf32, #tpu.memory_space<hbm>>, %arg3: memref<32x2x40x125xi32, #tpu.memory_space<hbm>>, %arg4: memref<32x2x40x125xi32, #tpu.memory_space<hbm>>, %arg5: memref<640x128xf32, #tpu.memory_space<hbm>>, %arg6: memref<2x10240x128xf32, #tpu.memory_space<hbm>>, %arg7: memref<40x125xi32, #tpu.memory_space<vmem>>, %arg8: memref<40x125xi32, #tpu.memory_space<vmem>>, %arg9: memref<125x128xf32, #tpu.memory_space<vmem>>, %arg10: memref<125x128xf32, #tpu.memory_space<vmem>>, %arg11: memref<10240x128xf32, #tpu.memory_space<vmem_shared>>, %arg12: memref<!tpu.dma_semaphore, #tpu.memory_space<semaphore_mem>>, %arg13: memref<!tpu.dma_semaphore, #tpu.memory_space<semaphore_mem>>) attributes {dimension_semantics = [#tpu.dimension_semantics<core_parallel>, #tpu.dimension_semantics<subcore_parallel>], iteration_bounds = array<i64: 2, 16>, scalar_prefetch = 0 : i64, scratch_operands = 7 : i64, tpu.core_type = #tpu.core_type<sc_vector_subcore>, window_params = [{transform_indices = #map}, {transform_indices = #map1}, {transform_indices = #map1}, {transform_indices = #map}, {transform_indices = #map2}]} {
    %mul3A = arith.constant 16 : i32
    %mul3A_0 = arith.muli %arg0, %mul3A : i32
    %add3A = arith.addi %mul3A_0, %arg1 : i32
    %mul3A_1 = arith.constant 640 : i32
    %mul3A_2 = arith.muli %arg1, %mul3A_1 : i32
    "tpu.region"() ({
      %run_scoped3A_35 = tpu.sem_alloc : memref<!tpu.dma_semaphore, #tpu.memory_space<semaphore_mem>>
      %dma_start3A_36 = arith.constant 0 : i32
      %dma_start3A_37 = tpu.memref_slice %arg11[%mul3A_2, %dma_start3A_36] : memref<10240x128xf32, #tpu.memory_space<vmem_shared>> -> memref<640x128xf32, #tpu.memory_space<vmem_shared>>
      tpu.enqueue_dma source(%arg5 : memref<640x128xf32, #tpu.memory_space<hbm>>) target(%dma_start3A_37 : memref<640x128xf32, #tpu.memory_space<vmem_shared>>) target_semaphore(%run_scoped3A_35 : memref<!tpu.dma_semaphore, #tpu.memory_space<semaphore_mem>>)
      %dma_wait3A = arith.constant 0 : i32
      %dma_wait3A_38 = tpu.memref_slice %arg11[%mul3A_2, %dma_wait3A] : memref<10240x128xf32, #tpu.memory_space<vmem_shared>> -> memref<640x128xf32, #tpu.memory_space<vmem_shared>>
      tpu.wait_dma2 semaphore(%run_scoped3A_35 : memref<!tpu.dma_semaphore, #tpu.memory_space<semaphore_mem>>) src(%arg5 : memref<640x128xf32, #tpu.memory_space<hbm>>) dst(%dma_wait3A_38 : memref<640x128xf32, #tpu.memory_space<vmem_shared>>)
      tpu.yield
    }) : () -> ()
    %barrier3A = arith.constant 0 : index
    tpu.barrier barrier_id(%barrier3A)
    %run_scoped3A = arith.constant 0 : i32
    "tpu.region"() ({
      %run_scoped3A_35 = tpu.sem_alloc : memref<!tpu.dma_semaphore, #tpu.memory_space<semaphore_mem>>
      %dma_start3A_36 = arith.constant 0 : i32
      %dma_start3A_37 = arith.constant 0 : i32
      %dma_start3A_38 = arith.constant 0 : i32
      %dma_start3A_39 = tpu.memref_slice %arg3[%add3A, %dma_start3A_36, %dma_start3A_37, %dma_start3A_38] : memref<32x2x40x125xi32, #tpu.memory_space<hbm>> -> memref<1x2x40x125xi32, #tpu.memory_space<hbm>>
      %dma_start3A_40 = tpu.memref_squeeze %dma_start3A_39 : memref<1x2x40x125xi32, #tpu.memory_space<hbm>> -> memref<2x40x125xi32, #tpu.memory_space<hbm>>
      %dma_start3A_41 = arith.constant 0 : i32
      %dma_start3A_42 = arith.constant 0 : i32
      %dma_start3A_43 = tpu.memref_slice %dma_start3A_40[%run_scoped3A, %dma_start3A_41, %dma_start3A_42] : memref<2x40x125xi32, #tpu.memory_space<hbm>> -> memref<1x40x125xi32, #tpu.memory_space<hbm>>
      %dma_start3A_44 = tpu.memref_squeeze %dma_start3A_43 : memref<1x40x125xi32, #tpu.memory_space<hbm>> -> memref<40x125xi32, #tpu.memory_space<hbm>>
      %dma_start3A_45 = arith.constant 0 : i32
      %dma_start3A_46 = arith.constant 0 : i32
      %dma_start3A_47 = arith.constant 0 : i32
      %dma_start3A_48 = tpu.memref_slice %arg3[%add3A, %dma_start3A_45, %dma_start3A_46, %dma_start3A_47] : memref<32x2x40x125xi32, #tpu.memory_space<hbm>> -> memref<1x2x40x125xi32, #tpu.memory_space<hbm>>
      %dma_start3A_49 = tpu.memref_squeeze %dma_start3A_48 : memref<1x2x40x125xi32, #tpu.memory_space<hbm>> -> memref<2x40x125xi32, #tpu.memory_space<hbm>>
      %dma_start3A_50 = arith.constant 0 : i32
      %dma_start3A_51 = arith.constant 0 : i32
      %dma_start3A_52 = tpu.memref_slice %dma_start3A_49[%run_scoped3A, %dma_start3A_50, %dma_start3A_51] : memref<2x40x125xi32, #tpu.memory_space<hbm>> -> memref<1x40x125xi32, #tpu.memory_space<hbm>>
      %dma_start3A_53 = tpu.memref_squeeze %dma_start3A_52 : memref<1x40x125xi32, #tpu.memory_space<hbm>> -> memref<40x125xi32, #tpu.memory_space<hbm>>
      tpu.enqueue_dma source(%dma_start3A_53 : memref<40x125xi32, #tpu.memory_space<hbm>>) target(%arg7 : memref<40x125xi32, #tpu.memory_space<vmem>>) target_semaphore(%run_scoped3A_35 : memref<!tpu.dma_semaphore, #tpu.memory_space<semaphore_mem>>)
      %dma_wait3A = arith.constant 0 : i32
      %dma_wait3A_54 = arith.constant 0 : i32
      %dma_wait3A_55 = arith.constant 0 : i32
      %dma_wait3A_56 = tpu.memref_slice %arg3[%add3A, %dma_wait3A, %dma_wait3A_54, %dma_wait3A_55] : memref<32x2x40x125xi32, #tpu.memory_space<hbm>> -> memref<1x2x40x125xi32, #tpu.memory_space<hbm>>
      %dma_wait3A_57 = tpu.memref_squeeze %dma_wait3A_56 : memref<1x2x40x125xi32, #tpu.memory_space<hbm>> -> memref<2x40x125xi32, #tpu.memory_space<hbm>>
      %dma_wait3A_58 = arith.constant 0 : i32
      %dma_wait3A_59 = arith.constant 0 : i32
      %dma_wait3A_60 = tpu.memref_slice %dma_wait3A_57[%run_scoped3A, %dma_wait3A_58, %dma_wait3A_59] : memref<2x40x125xi32, #tpu.memory_space<hbm>> -> memref<1x40x125xi32, #tpu.memory_space<hbm>>
      %dma_wait3A_61 = tpu.memref_squeeze %dma_wait3A_60 : memref<1x40x125xi32, #tpu.memory_space<hbm>> -> memref<40x125xi32, #tpu.memory_space<hbm>>
      %dma_wait3A_62 = arith.constant 0 : i32
      %dma_wait3A_63 = arith.constant 0 : i32
      %dma_wait3A_64 = arith.constant 0 : i32
      %dma_wait3A_65 = tpu.memref_slice %arg3[%add3A, %dma_wait3A_62, %dma_wait3A_63, %dma_wait3A_64] : memref<32x2x40x125xi32, #tpu.memory_space<hbm>> -> memref<1x2x40x125xi32, #tpu.memory_space<hbm>>
      %dma_wait3A_66 = tpu.memref_squeeze %dma_wait3A_65 : memref<1x2x40x125xi32, #tpu.memory_space<hbm>> -> memref<2x40x125xi32, #tpu.memory_space<hbm>>
      %dma_wait3A_67 = arith.constant 0 : i32
      %dma_wait3A_68 = arith.constant 0 : i32
      %dma_wait3A_69 = tpu.memref_slice %dma_wait3A_66[%run_scoped3A, %dma_wait3A_67, %dma_wait3A_68] : memref<2x40x125xi32, #tpu.memory_space<hbm>> -> memref<1x40x125xi32, #tpu.memory_space<hbm>>
      %dma_wait3A_70 = tpu.memref_squeeze %dma_wait3A_69 : memref<1x40x125xi32, #tpu.memory_space<hbm>> -> memref<40x125xi32, #tpu.memory_space<hbm>>
      tpu.wait_dma2 semaphore(%run_scoped3A_35 : memref<!tpu.dma_semaphore, #tpu.memory_space<semaphore_mem>>) src(%dma_wait3A_70 : memref<40x125xi32, #tpu.memory_space<hbm>>) dst(%arg7 : memref<40x125xi32, #tpu.memory_space<vmem>>)
      tpu.yield
    }) : () -> ()
    %run_scoped3A_3 = arith.constant 0 : i32
    "tpu.region"() ({
      %run_scoped3A_35 = tpu.sem_alloc : memref<!tpu.dma_semaphore, #tpu.memory_space<semaphore_mem>>
      %dma_start3A_36 = arith.constant 0 : i32
      %dma_start3A_37 = arith.constant 0 : i32
      %dma_start3A_38 = arith.constant 0 : i32
      %dma_start3A_39 = tpu.memref_slice %arg4[%add3A, %dma_start3A_36, %dma_start3A_37, %dma_start3A_38] : memref<32x2x40x125xi32, #tpu.memory_space<hbm>> -> memref<1x2x40x125xi32, #tpu.memory_space<hbm>>
      %dma_start3A_40 = tpu.memref_squeeze %dma_start3A_39 : memref<1x2x40x125xi32, #tpu.memory_space<hbm>> -> memref<2x40x125xi32, #tpu.memory_space<hbm>>
      %dma_start3A_41 = arith.constant 0 : i32
      %dma_start3A_42 = arith.constant 0 : i32
      %dma_start3A_43 = tpu.memref_slice %dma_start3A_40[%run_scoped3A_3, %dma_start3A_41, %dma_start3A_42] : memref<2x40x125xi32, #tpu.memory_space<hbm>> -> memref<1x40x125xi32, #tpu.memory_space<hbm>>
      %dma_start3A_44 = tpu.memref_squeeze %dma_start3A_43 : memref<1x40x125xi32, #tpu.memory_space<hbm>> -> memref<40x125xi32, #tpu.memory_space<hbm>>
      %dma_start3A_45 = arith.constant 0 : i32
      %dma_start3A_46 = arith.constant 0 : i32
      %dma_start3A_47 = arith.constant 0 : i32
      %dma_start3A_48 = tpu.memref_slice %arg4[%add3A, %dma_start3A_45, %dma_start3A_46, %dma_start3A_47] : memref<32x2x40x125xi32, #tpu.memory_space<hbm>> -> memref<1x2x40x125xi32, #tpu.memory_space<hbm>>
      %dma_start3A_49 = tpu.memref_squeeze %dma_start3A_48 : memref<1x2x40x125xi32, #tpu.memory_space<hbm>> -> memref<2x40x125xi32, #tpu.memory_space<hbm>>
      %dma_start3A_50 = arith.constant 0 : i32
      %dma_start3A_51 = arith.constant 0 : i32
      %dma_start3A_52 = tpu.memref_slice %dma_start3A_49[%run_scoped3A_3, %dma_start3A_50, %dma_start3A_51] : memref<2x40x125xi32, #tpu.memory_space<hbm>> -> memref<1x40x125xi32, #tpu.memory_space<hbm>>
      %dma_start3A_53 = tpu.memref_squeeze %dma_start3A_52 : memref<1x40x125xi32, #tpu.memory_space<hbm>> -> memref<40x125xi32, #tpu.memory_space<hbm>>
      tpu.enqueue_dma source(%dma_start3A_53 : memref<40x125xi32, #tpu.memory_space<hbm>>) target(%arg8 : memref<40x125xi32, #tpu.memory_space<vmem>>) target_semaphore(%run_scoped3A_35 : memref<!tpu.dma_semaphore, #tpu.memory_space<semaphore_mem>>)
      %dma_wait3A = arith.constant 0 : i32
      %dma_wait3A_54 = arith.constant 0 : i32
      %dma_wait3A_55 = arith.constant 0 : i32
      %dma_wait3A_56 = tpu.memref_slice %arg4[%add3A, %dma_wait3A, %dma_wait3A_54, %dma_wait3A_55] : memref<32x2x40x125xi32, #tpu.memory_space<hbm>> -> memref<1x2x40x125xi32, #tpu.memory_space<hbm>>
      %dma_wait3A_57 = tpu.memref_squeeze %dma_wait3A_56 : memref<1x2x40x125xi32, #tpu.memory_space<hbm>> -> memref<2x40x125xi32, #tpu.memory_space<hbm>>
      %dma_wait3A_58 = arith.constant 0 : i32
      %dma_wait3A_59 = arith.constant 0 : i32
      %dma_wait3A_60 = tpu.memref_slice %dma_wait3A_57[%run_scoped3A_3, %dma_wait3A_58, %dma_wait3A_59] : memref<2x40x125xi32, #tpu.memory_space<hbm>> -> memref<1x40x125xi32, #tpu.memory_space<hbm>>
      %dma_wait3A_61 = tpu.memref_squeeze %dma_wait3A_60 : memref<1x40x125xi32, #tpu.memory_space<hbm>> -> memref<40x125xi32, #tpu.memory_space<hbm>>
      %dma_wait3A_62 = arith.constant 0 : i32
      %dma_wait3A_63 = arith.constant 0 : i32
      %dma_wait3A_64 = arith.constant 0 : i32
      %dma_wait3A_65 = tpu.memref_slice %arg4[%add3A, %dma_wait3A_62, %dma_wait3A_63, %dma_wait3A_64] : memref<32x2x40x125xi32, #tpu.memory_space<hbm>> -> memref<1x2x40x125xi32, #tpu.memory_space<hbm>>
      %dma_wait3A_66 = tpu.memref_squeeze %dma_wait3A_65 : memref<1x2x40x125xi32, #tpu.memory_space<hbm>> -> memref<2x40x125xi32, #tpu.memory_space<hbm>>
      %dma_wait3A_67 = arith.constant 0 : i32
      %dma_wait3A_68 = arith.constant 0 : i32
      %dma_wait3A_69 = tpu.memref_slice %dma_wait3A_66[%run_scoped3A_3, %dma_wait3A_67, %dma_wait3A_68] : memref<2x40x125xi32, #tpu.memory_space<hbm>> -> memref<1x40x125xi32, #tpu.memory_space<hbm>>
      %dma_wait3A_70 = tpu.memref_squeeze %dma_wait3A_69 : memref<1x40x125xi32, #tpu.memory_space<hbm>> -> memref<40x125xi32, #tpu.memory_space<hbm>>
      tpu.wait_dma2 semaphore(%run_scoped3A_35 : memref<!tpu.dma_semaphore, #tpu.memory_space<semaphore_mem>>) src(%dma_wait3A_70 : memref<40x125xi32, #tpu.memory_space<hbm>>) dst(%arg8 : memref<40x125xi32, #tpu.memory_space<vmem>>)
      tpu.yield
    }) : () -> ()
    %dma_start3A = arith.constant 0 : i32
    %dma_start3A_4 = arith.constant 0 : i32
    %dma_start3A_5 = tpu.memref_slice %arg7[%dma_start3A, %dma_start3A_4] : memref<40x125xi32, #tpu.memory_space<vmem>> -> memref<1x125xi32, #tpu.memory_space<vmem>>
    %dma_start3A_6 = tpu.memref_squeeze %dma_start3A_5 : memref<1x125xi32, #tpu.memory_space<vmem>> -> memref<125xi32, #tpu.memory_space<vmem>>
    %dma_start3A_7 = arith.constant 0 : i32
    %dma_start3A_8 = arith.constant 0 : i32
    %dma_start3A_9 = tpu.memref_slice %arg2[%dma_start3A_7, %dma_start3A_8] : memref<10000x128xf32, #tpu.memory_space<hbm>> -> memref<10000x128xf32, #tpu.memory_space<hbm>>
    tpu.enqueue_indirect_dma source(%dma_start3A_9 : memref<10000x128xf32, #tpu.memory_space<hbm>>) target(%arg9 : memref<125x128xf32, #tpu.memory_space<vmem>>) offsets(%dma_start3A_6 : memref<125xi32, #tpu.memory_space<vmem>>) semaphore(%arg12 : memref<!tpu.dma_semaphore, #tpu.memory_space<semaphore_mem>>)
    %scan3A = arith.constant 0 : i32
    %scan3A_10 = arith.constant 0 : i32
    %scan3A_11 = arith.constant 20 : i32
    %scan3A_12 = arith.addi %scan3A_10, %scan3A_11 : i32
    %scan3A_13 = arith.constant 1 : i32
    scf.for %scan3A_35 = %scan3A_10 to %scan3A_12 step %scan3A_13  : i32 {
      %mul3A_36 = arith.constant 2 : i32
      %mul3A_37 = arith.muli %mul3A_36, %scan3A_35 : i32
      %add3A_38 = arith.constant 1 : i32
      %add3A_39 = arith.addi %mul3A_37, %add3A_38 : i32
      %dma_start3A_40 = arith.constant 0 : i32
      %dma_start3A_41 = tpu.memref_slice %arg7[%add3A_39, %dma_start3A_40] : memref<40x125xi32, #tpu.memory_space<vmem>> -> memref<1x125xi32, #tpu.memory_space<vmem>>
      %dma_start3A_42 = tpu.memref_squeeze %dma_start3A_41 : memref<1x125xi32, #tpu.memory_space<vmem>> -> memref<125xi32, #tpu.memory_space<vmem>>
      %dma_start3A_43 = arith.constant 0 : i32
      %dma_start3A_44 = arith.constant 0 : i32
      %dma_start3A_45 = tpu.memref_slice %arg2[%dma_start3A_43, %dma_start3A_44] : memref<10000x128xf32, #tpu.memory_space<hbm>> -> memref<10000x128xf32, #tpu.memory_space<hbm>>
      tpu.enqueue_indirect_dma source(%dma_start3A_45 : memref<10000x128xf32, #tpu.memory_space<hbm>>) target(%arg10 : memref<125x128xf32, #tpu.memory_space<vmem>>) offsets(%dma_start3A_42 : memref<125xi32, #tpu.memory_space<vmem>>) semaphore(%arg13 : memref<!tpu.dma_semaphore, #tpu.memory_space<semaphore_mem>>)
      %dma_wait3A = arith.constant 0 : i32
      %dma_wait3A_46 = tpu.memref_slice %arg7[%mul3A_37, %dma_wait3A] : memref<40x125xi32, #tpu.memory_space<vmem>> -> memref<1x125xi32, #tpu.memory_space<vmem>>
      %dma_wait3A_47 = tpu.memref_squeeze %dma_wait3A_46 : memref<1x125xi32, #tpu.memory_space<vmem>> -> memref<125xi32, #tpu.memory_space<vmem>>
      %dma_wait3A_48 = arith.constant 0 : i32
      %dma_wait3A_49 = arith.constant 0 : i32
      %dma_wait3A_50 = tpu.memref_slice %arg2[%dma_wait3A_48, %dma_wait3A_49] : memref<10000x128xf32, #tpu.memory_space<hbm>> -> memref<10000x128xf32, #tpu.memory_space<hbm>>
      tpu.wait_indirect_dma semaphore(%arg12 : memref<!tpu.dma_semaphore, #tpu.memory_space<semaphore_mem>>) src(%dma_wait3A_50 : memref<10000x128xf32, #tpu.memory_space<hbm>>) dst(%arg9 : memref<125x128xf32, #tpu.memory_space<vmem>>)
      "tpu.region"() ({
        %run_scoped3A_63 = tpu.sem_alloc : memref<!tpu.dma_semaphore, #tpu.memory_space<semaphore_mem>>
        %dma_start3A_64 = arith.constant 0 : i32
        %dma_start3A_65 = tpu.memref_slice %arg8[%mul3A_37, %dma_start3A_64] : memref<40x125xi32, #tpu.memory_space<vmem>> -> memref<1x125xi32, #tpu.memory_space<vmem>>
        %dma_start3A_66 = tpu.memref_squeeze %dma_start3A_65 : memref<1x125xi32, #tpu.memory_space<vmem>> -> memref<125xi32, #tpu.memory_space<vmem>>
        %dma_start3A_67 = arith.constant 0 : i32
        %dma_start3A_68 = arith.constant 0 : i32
        %dma_start3A_69 = tpu.memref_slice %arg11[%dma_start3A_67, %dma_start3A_68] : memref<10240x128xf32, #tpu.memory_space<vmem_shared>> -> memref<10240x128xf32, #tpu.memory_space<vmem_shared>>
        tpu.enqueue_indirect_dma source(%arg9 : memref<125x128xf32, #tpu.memory_space<vmem>>) target(%dma_start3A_69 : memref<10240x128xf32, #tpu.memory_space<vmem_shared>>) offsets(%dma_start3A_66 : memref<125xi32, #tpu.memory_space<vmem>>) semaphore(%run_scoped3A_63 : memref<!tpu.dma_semaphore, #tpu.memory_space<semaphore_mem>>) {add = true}
        %dma_wait3A_70 = arith.constant 0 : i32
        %dma_wait3A_71 = tpu.memref_slice %arg8[%mul3A_37, %dma_wait3A_70] : memref<40x125xi32, #tpu.memory_space<vmem>> -> memref<1x125xi32, #tpu.memory_space<vmem>>
        %dma_wait3A_72 = tpu.memref_squeeze %dma_wait3A_71 : memref<1x125xi32, #tpu.memory_space<vmem>> -> memref<125xi32, #tpu.memory_space<vmem>>
        %dma_wait3A_73 = arith.constant 0 : i32
        %dma_wait3A_74 = arith.constant 0 : i32
        %dma_wait3A_75 = tpu.memref_slice %arg11[%dma_wait3A_73, %dma_wait3A_74] : memref<10240x128xf32, #tpu.memory_space<vmem_shared>> -> memref<10240x128xf32, #tpu.memory_space<vmem_shared>>
        tpu.wait_indirect_dma semaphore(%run_scoped3A_63 : memref<!tpu.dma_semaphore, #tpu.memory_space<semaphore_mem>>) src(%arg9 : memref<125x128xf32, #tpu.memory_space<vmem>>) dst(%dma_wait3A_75 : memref<10240x128xf32, #tpu.memory_space<vmem_shared>>)
        tpu.yield
      }) : () -> ()
      %lt3A = arith.constant 19 : i32
      %lt3A_51 = arith.cmpi slt, %scan3A_35, %lt3A : i32
      %convert_element_type3A = arith.extui %lt3A_51 : i1 to i32
      %cond3A = arith.constant 0 : i32
      %cond3A_52 = arith.cmpi ne, %convert_element_type3A, %cond3A : i32
      scf.if %cond3A_52 {
        %add3A_63 = arith.constant 2 : i32
        %add3A_64 = arith.addi %mul3A_37, %add3A_63 : i32
        %dma_start3A_65 = arith.constant 0 : i32
        %dma_start3A_66 = tpu.memref_slice %arg7[%add3A_64, %dma_start3A_65] : memref<40x125xi32, #tpu.memory_space<vmem>> -> memref<1x125xi32, #tpu.memory_space<vmem>>
        %dma_start3A_67 = tpu.memref_squeeze %dma_start3A_66 : memref<1x125xi32, #tpu.memory_space<vmem>> -> memref<125xi32, #tpu.memory_space<vmem>>
        %dma_start3A_68 = arith.constant 0 : i32
        %dma_start3A_69 = arith.constant 0 : i32
        %dma_start3A_70 = tpu.memref_slice %arg2[%dma_start3A_68, %dma_start3A_69] : memref<10000x128xf32, #tpu.memory_space<hbm>> -> memref<10000x128xf32, #tpu.memory_space<hbm>>
        tpu.enqueue_indirect_dma source(%dma_start3A_70 : memref<10000x128xf32, #tpu.memory_space<hbm>>) target(%arg9 : memref<125x128xf32, #tpu.memory_space<vmem>>) offsets(%dma_start3A_67 : memref<125xi32, #tpu.memory_space<vmem>>) semaphore(%arg12 : memref<!tpu.dma_semaphore, #tpu.memory_space<semaphore_mem>>)
      } else {
      }
      %add3A_53 = arith.constant 1 : i32
      %add3A_54 = arith.addi %mul3A_37, %add3A_53 : i32
      %dma_wait3A_55 = arith.constant 0 : i32
      %dma_wait3A_56 = tpu.memref_slice %arg7[%add3A_54, %dma_wait3A_55] : memref<40x125xi32, #tpu.memory_space<vmem>> -> memref<1x125xi32, #tpu.memory_space<vmem>>
      %dma_wait3A_57 = tpu.memref_squeeze %dma_wait3A_56 : memref<1x125xi32, #tpu.memory_space<vmem>> -> memref<125xi32, #tpu.memory_space<vmem>>
      %dma_wait3A_58 = arith.constant 0 : i32
      %dma_wait3A_59 = arith.constant 0 : i32
      %dma_wait3A_60 = tpu.memref_slice %arg2[%dma_wait3A_58, %dma_wait3A_59] : memref<10000x128xf32, #tpu.memory_space<hbm>> -> memref<10000x128xf32, #tpu.memory_space<hbm>>
      tpu.wait_indirect_dma semaphore(%arg13 : memref<!tpu.dma_semaphore, #tpu.memory_space<semaphore_mem>>) src(%dma_wait3A_60 : memref<10000x128xf32, #tpu.memory_space<hbm>>) dst(%arg10 : memref<125x128xf32, #tpu.memory_space<vmem>>)
      %add3A_61 = arith.constant 1 : i32
      %add3A_62 = arith.addi %mul3A_37, %add3A_61 : i32
      "tpu.region"() ({
        %run_scoped3A_63 = tpu.sem_alloc : memref<!tpu.dma_semaphore, #tpu.memory_space<semaphore_mem>>
        %dma_start3A_64 = arith.constant 0 : i32
        %dma_start3A_65 = tpu.memref_slice %arg8[%add3A_62, %dma_start3A_64] : memref<40x125xi32, #tpu.memory_space<vmem>> -> memref<1x125xi32, #tpu.memory_space<vmem>>
        %dma_start3A_66 = tpu.memref_squeeze %dma_start3A_65 : memref<1x125xi32, #tpu.memory_space<vmem>> -> memref<125xi32, #tpu.memory_space<vmem>>
        %dma_start3A_67 = arith.constant 0 : i32
        %dma_start3A_68 = arith.constant 0 : i32
        %dma_start3A_69 = tpu.memref_slice %arg11[%dma_start3A_67, %dma_start3A_68] : memref<10240x128xf32, #tpu.memory_space<vmem_shared>> -> memref<10240x128xf32, #tpu.memory_space<vmem_shared>>
        tpu.enqueue_indirect_dma source(%arg10 : memref<125x128xf32, #tpu.memory_space<vmem>>) target(%dma_start3A_69 : memref<10240x128xf32, #tpu.memory_space<vmem_shared>>) offsets(%dma_start3A_66 : memref<125xi32, #tpu.memory_space<vmem>>) semaphore(%run_scoped3A_63 : memref<!tpu.dma_semaphore, #tpu.memory_space<semaphore_mem>>) {add = true}
        %dma_wait3A_70 = arith.constant 0 : i32
        %dma_wait3A_71 = tpu.memref_slice %arg8[%add3A_62, %dma_wait3A_70] : memref<40x125xi32, #tpu.memory_space<vmem>> -> memref<1x125xi32, #tpu.memory_space<vmem>>
        %dma_wait3A_72 = tpu.memref_squeeze %dma_wait3A_71 : memref<1x125xi32, #tpu.memory_space<vmem>> -> memref<125xi32, #tpu.memory_space<vmem>>
        %dma_wait3A_73 = arith.constant 0 : i32
        %dma_wait3A_74 = arith.constant 0 : i32
        %dma_wait3A_75 = tpu.memref_slice %arg11[%dma_wait3A_73, %dma_wait3A_74] : memref<10240x128xf32, #tpu.memory_space<vmem_shared>> -> memref<10240x128xf32, #tpu.memory_space<vmem_shared>>
        tpu.wait_indirect_dma semaphore(%run_scoped3A_63 : memref<!tpu.dma_semaphore, #tpu.memory_space<semaphore_mem>>) src(%arg10 : memref<125x128xf32, #tpu.memory_space<vmem>>) dst(%dma_wait3A_75 : memref<10240x128xf32, #tpu.memory_space<vmem_shared>>)
        tpu.yield
      }) : () -> ()
    }
    %scan3A_14 = arith.constant 20 : i32
    %run_scoped3A_15 = arith.constant 1 : i32
    "tpu.region"() ({
      %run_scoped3A_35 = tpu.sem_alloc : memref<!tpu.dma_semaphore, #tpu.memory_space<semaphore_mem>>
      %dma_start3A_36 = arith.constant 0 : i32
      %dma_start3A_37 = arith.constant 0 : i32
      %dma_start3A_38 = arith.constant 0 : i32
      %dma_start3A_39 = tpu.memref_slice %arg3[%add3A, %dma_start3A_36, %dma_start3A_37, %dma_start3A_38] : memref<32x2x40x125xi32, #tpu.memory_space<hbm>> -> memref<1x2x40x125xi32, #tpu.memory_space<hbm>>
      %dma_start3A_40 = tpu.memref_squeeze %dma_start3A_39 : memref<1x2x40x125xi32, #tpu.memory_space<hbm>> -> memref<2x40x125xi32, #tpu.memory_space<hbm>>
      %dma_start3A_41 = arith.constant 0 : i32
      %dma_start3A_42 = arith.constant 0 : i32
      %dma_start3A_43 = tpu.memref_slice %dma_start3A_40[%run_scoped3A_15, %dma_start3A_41, %dma_start3A_42] : memref<2x40x125xi32, #tpu.memory_space<hbm>> -> memref<1x40x125xi32, #tpu.memory_space<hbm>>
      %dma_start3A_44 = tpu.memref_squeeze %dma_start3A_43 : memref<1x40x125xi32, #tpu.memory_space<hbm>> -> memref<40x125xi32, #tpu.memory_space<hbm>>
      %dma_start3A_45 = arith.constant 0 : i32
      %dma_start3A_46 = arith.constant 0 : i32
      %dma_start3A_47 = arith.constant 0 : i32
      %dma_start3A_48 = tpu.memref_slice %arg3[%add3A, %dma_start3A_45, %dma_start3A_46, %dma_start3A_47] : memref<32x2x40x125xi32, #tpu.memory_space<hbm>> -> memref<1x2x40x125xi32, #tpu.memory_space<hbm>>
      %dma_start3A_49 = tpu.memref_squeeze %dma_start3A_48 : memref<1x2x40x125xi32, #tpu.memory_space<hbm>> -> memref<2x40x125xi32, #tpu.memory_space<hbm>>
      %dma_start3A_50 = arith.constant 0 : i32
      %dma_start3A_51 = arith.constant 0 : i32
      %dma_start3A_52 = tpu.memref_slice %dma_start3A_49[%run_scoped3A_15, %dma_start3A_50, %dma_start3A_51] : memref<2x40x125xi32, #tpu.memory_space<hbm>> -> memref<1x40x125xi32, #tpu.memory_space<hbm>>
      %dma_start3A_53 = tpu.memref_squeeze %dma_start3A_52 : memref<1x40x125xi32, #tpu.memory_space<hbm>> -> memref<40x125xi32, #tpu.memory_space<hbm>>
      tpu.enqueue_dma source(%dma_start3A_53 : memref<40x125xi32, #tpu.memory_space<hbm>>) target(%arg7 : memref<40x125xi32, #tpu.memory_space<vmem>>) target_semaphore(%run_scoped3A_35 : memref<!tpu.dma_semaphore, #tpu.memory_space<semaphore_mem>>)
      %dma_wait3A = arith.constant 0 : i32
      %dma_wait3A_54 = arith.constant 0 : i32
      %dma_wait3A_55 = arith.constant 0 : i32
      %dma_wait3A_56 = tpu.memref_slice %arg3[%add3A, %dma_wait3A, %dma_wait3A_54, %dma_wait3A_55] : memref<32x2x40x125xi32, #tpu.memory_space<hbm>> -> memref<1x2x40x125xi32, #tpu.memory_space<hbm>>
      %dma_wait3A_57 = tpu.memref_squeeze %dma_wait3A_56 : memref<1x2x40x125xi32, #tpu.memory_space<hbm>> -> memref<2x40x125xi32, #tpu.memory_space<hbm>>
      %dma_wait3A_58 = arith.constant 0 : i32
      %dma_wait3A_59 = arith.constant 0 : i32
      %dma_wait3A_60 = tpu.memref_slice %dma_wait3A_57[%run_scoped3A_15, %dma_wait3A_58, %dma_wait3A_59] : memref<2x40x125xi32, #tpu.memory_space<hbm>> -> memref<1x40x125xi32, #tpu.memory_space<hbm>>
      %dma_wait3A_61 = tpu.memref_squeeze %dma_wait3A_60 : memref<1x40x125xi32, #tpu.memory_space<hbm>> -> memref<40x125xi32, #tpu.memory_space<hbm>>
      %dma_wait3A_62 = arith.constant 0 : i32
      %dma_wait3A_63 = arith.constant 0 : i32
      %dma_wait3A_64 = arith.constant 0 : i32
      %dma_wait3A_65 = tpu.memref_slice %arg3[%add3A, %dma_wait3A_62, %dma_wait3A_63, %dma_wait3A_64] : memref<32x2x40x125xi32, #tpu.memory_space<hbm>> -> memref<1x2x40x125xi32, #tpu.memory_space<hbm>>
      %dma_wait3A_66 = tpu.memref_squeeze %dma_wait3A_65 : memref<1x2x40x125xi32, #tpu.memory_space<hbm>> -> memref<2x40x125xi32, #tpu.memory_space<hbm>>
      %dma_wait3A_67 = arith.constant 0 : i32
      %dma_wait3A_68 = arith.constant 0 : i32
      %dma_wait3A_69 = tpu.memref_slice %dma_wait3A_66[%run_scoped3A_15, %dma_wait3A_67, %dma_wait3A_68] : memref<2x40x125xi32, #tpu.memory_space<hbm>> -> memref<1x40x125xi32, #tpu.memory_space<hbm>>
      %dma_wait3A_70 = tpu.memref_squeeze %dma_wait3A_69 : memref<1x40x125xi32, #tpu.memory_space<hbm>> -> memref<40x125xi32, #tpu.memory_space<hbm>>
      tpu.wait_dma2 semaphore(%run_scoped3A_35 : memref<!tpu.dma_semaphore, #tpu.memory_space<semaphore_mem>>) src(%dma_wait3A_70 : memref<40x125xi32, #tpu.memory_space<hbm>>) dst(%arg7 : memref<40x125xi32, #tpu.memory_space<vmem>>)
      tpu.yield
    }) : () -> ()
    %run_scoped3A_16 = arith.constant 1 : i32
    "tpu.region"() ({
      %run_scoped3A_35 = tpu.sem_alloc : memref<!tpu.dma_semaphore, #tpu.memory_space<semaphore_mem>>
      %dma_start3A_36 = arith.constant 0 : i32
      %dma_start3A_37 = arith.constant 0 : i32
      %dma_start3A_38 = arith.constant 0 : i32
      %dma_start3A_39 = tpu.memref_slice %arg4[%add3A, %dma_start3A_36, %dma_start3A_37, %dma_start3A_38] : memref<32x2x40x125xi32, #tpu.memory_space<hbm>> -> memref<1x2x40x125xi32, #tpu.memory_space<hbm>>
      %dma_start3A_40 = tpu.memref_squeeze %dma_start3A_39 : memref<1x2x40x125xi32, #tpu.memory_space<hbm>> -> memref<2x40x125xi32, #tpu.memory_space<hbm>>
      %dma_start3A_41 = arith.constant 0 : i32
      %dma_start3A_42 = arith.constant 0 : i32
      %dma_start3A_43 = tpu.memref_slice %dma_start3A_40[%run_scoped3A_16, %dma_start3A_41, %dma_start3A_42] : memref<2x40x125xi32, #tpu.memory_space<hbm>> -> memref<1x40x125xi32, #tpu.memory_space<hbm>>
      %dma_start3A_44 = tpu.memref_squeeze %dma_start3A_43 : memref<1x40x125xi32, #tpu.memory_space<hbm>> -> memref<40x125xi32, #tpu.memory_space<hbm>>
      %dma_start3A_45 = arith.constant 0 : i32
      %dma_start3A_46 = arith.constant 0 : i32
      %dma_start3A_47 = arith.constant 0 : i32
      %dma_start3A_48 = tpu.memref_slice %arg4[%add3A, %dma_start3A_45, %dma_start3A_46, %dma_start3A_47] : memref<32x2x40x125xi32, #tpu.memory_space<hbm>> -> memref<1x2x40x125xi32, #tpu.memory_space<hbm>>
      %dma_start3A_49 = tpu.memref_squeeze %dma_start3A_48 : memref<1x2x40x125xi32, #tpu.memory_space<hbm>> -> memref<2x40x125xi32, #tpu.memory_space<hbm>>
      %dma_start3A_50 = arith.constant 0 : i32
      %dma_start3A_51 = arith.constant 0 : i32
      %dma_start3A_52 = tpu.memref_slice %dma_start3A_49[%run_scoped3A_16, %dma_start3A_50, %dma_start3A_51] : memref<2x40x125xi32, #tpu.memory_space<hbm>> -> memref<1x40x125xi32, #tpu.memory_space<hbm>>
      %dma_start3A_53 = tpu.memref_squeeze %dma_start3A_52 : memref<1x40x125xi32, #tpu.memory_space<hbm>> -> memref<40x125xi32, #tpu.memory_space<hbm>>
      tpu.enqueue_dma source(%dma_start3A_53 : memref<40x125xi32, #tpu.memory_space<hbm>>) target(%arg8 : memref<40x125xi32, #tpu.memory_space<vmem>>) target_semaphore(%run_scoped3A_35 : memref<!tpu.dma_semaphore, #tpu.memory_space<semaphore_mem>>)
      %dma_wait3A = arith.constant 0 : i32
      %dma_wait3A_54 = arith.constant 0 : i32
      %dma_wait3A_55 = arith.constant 0 : i32
      %dma_wait3A_56 = tpu.memref_slice %arg4[%add3A, %dma_wait3A, %dma_wait3A_54, %dma_wait3A_55] : memref<32x2x40x125xi32, #tpu.memory_space<hbm>> -> memref<1x2x40x125xi32, #tpu.memory_space<hbm>>
      %dma_wait3A_57 = tpu.memref_squeeze %dma_wait3A_56 : memref<1x2x40x125xi32, #tpu.memory_space<hbm>> -> memref<2x40x125xi32, #tpu.memory_space<hbm>>
      %dma_wait3A_58 = arith.constant 0 : i32
      %dma_wait3A_59 = arith.constant 0 : i32
      %dma_wait3A_60 = tpu.memref_slice %dma_wait3A_57[%run_scoped3A_16, %dma_wait3A_58, %dma_wait3A_59] : memref<2x40x125xi32, #tpu.memory_space<hbm>> -> memref<1x40x125xi32, #tpu.memory_space<hbm>>
      %dma_wait3A_61 = tpu.memref_squeeze %dma_wait3A_60 : memref<1x40x125xi32, #tpu.memory_space<hbm>> -> memref<40x125xi32, #tpu.memory_space<hbm>>
      %dma_wait3A_62 = arith.constant 0 : i32
      %dma_wait3A_63 = arith.constant 0 : i32
      %dma_wait3A_64 = arith.constant 0 : i32
      %dma_wait3A_65 = tpu.memref_slice %arg4[%add3A, %dma_wait3A_62, %dma_wait3A_63, %dma_wait3A_64] : memref<32x2x40x125xi32, #tpu.memory_space<hbm>> -> memref<1x2x40x125xi32, #tpu.memory_space<hbm>>
      %dma_wait3A_66 = tpu.memref_squeeze %dma_wait3A_65 : memref<1x2x40x125xi32, #tpu.memory_space<hbm>> -> memref<2x40x125xi32, #tpu.memory_space<hbm>>
      %dma_wait3A_67 = arith.constant 0 : i32
      %dma_wait3A_68 = arith.constant 0 : i32
      %dma_wait3A_69 = tpu.memref_slice %dma_wait3A_66[%run_scoped3A_16, %dma_wait3A_67, %dma_wait3A_68] : memref<2x40x125xi32, #tpu.memory_space<hbm>> -> memref<1x40x125xi32, #tpu.memory_space<hbm>>
      %dma_wait3A_70 = tpu.memref_squeeze %dma_wait3A_69 : memref<1x40x125xi32, #tpu.memory_space<hbm>> -> memref<40x125xi32, #tpu.memory_space<hbm>>
      tpu.wait_dma2 semaphore(%run_scoped3A_35 : memref<!tpu.dma_semaphore, #tpu.memory_space<semaphore_mem>>) src(%dma_wait3A_70 : memref<40x125xi32, #tpu.memory_space<hbm>>) dst(%arg8 : memref<40x125xi32, #tpu.memory_space<vmem>>)
      tpu.yield
    }) : () -> ()
    %dma_start3A_17 = arith.constant 0 : i32
    %dma_start3A_18 = arith.constant 0 : i32
    %dma_start3A_19 = tpu.memref_slice %arg7[%dma_start3A_17, %dma_start3A_18] : memref<40x125xi32, #tpu.memory_space<vmem>> -> memref<1x125xi32, #tpu.memory_space<vmem>>
    %dma_start3A_20 = tpu.memref_squeeze %dma_start3A_19 : memref<1x125xi32, #tpu.memory_space<vmem>> -> memref<125xi32, #tpu.memory_space<vmem>>
    %dma_start3A_21 = arith.constant 0 : i32
    %dma_start3A_22 = arith.constant 0 : i32
    %dma_start3A_23 = tpu.memref_slice %arg2[%dma_start3A_21, %dma_start3A_22] : memref<10000x128xf32, #tpu.memory_space<hbm>> -> memref<10000x128xf32, #tpu.memory_space<hbm>>
    tpu.enqueue_indirect_dma source(%dma_start3A_23 : memref<10000x128xf32, #tpu.memory_space<hbm>>) target(%arg9 : memref<125x128xf32, #tpu.memory_space<vmem>>) offsets(%dma_start3A_20 : memref<125xi32, #tpu.memory_space<vmem>>) semaphore(%arg12 : memref<!tpu.dma_semaphore, #tpu.memory_space<semaphore_mem>>)
    %scan3A_24 = arith.constant 0 : i32
    %scan3A_25 = arith.constant 0 : i32
    %scan3A_26 = arith.constant 20 : i32
    %scan3A_27 = arith.addi %scan3A_25, %scan3A_26 : i32
    %scan3A_28 = arith.constant 1 : i32
    scf.for %scan3A_35 = %scan3A_25 to %scan3A_27 step %scan3A_28  : i32 {
      %mul3A_36 = arith.constant 2 : i32
      %mul3A_37 = arith.muli %mul3A_36, %scan3A_35 : i32
      %add3A_38 = arith.constant 1 : i32
      %add3A_39 = arith.addi %mul3A_37, %add3A_38 : i32
      %dma_start3A_40 = arith.constant 0 : i32
      %dma_start3A_41 = tpu.memref_slice %arg7[%add3A_39, %dma_start3A_40] : memref<40x125xi32, #tpu.memory_space<vmem>> -> memref<1x125xi32, #tpu.memory_space<vmem>>
      %dma_start3A_42 = tpu.memref_squeeze %dma_start3A_41 : memref<1x125xi32, #tpu.memory_space<vmem>> -> memref<125xi32, #tpu.memory_space<vmem>>
      %dma_start3A_43 = arith.constant 0 : i32
      %dma_start3A_44 = arith.constant 0 : i32
      %dma_start3A_45 = tpu.memref_slice %arg2[%dma_start3A_43, %dma_start3A_44] : memref<10000x128xf32, #tpu.memory_space<hbm>> -> memref<10000x128xf32, #tpu.memory_space<hbm>>
      tpu.enqueue_indirect_dma source(%dma_start3A_45 : memref<10000x128xf32, #tpu.memory_space<hbm>>) target(%arg10 : memref<125x128xf32, #tpu.memory_space<vmem>>) offsets(%dma_start3A_42 : memref<125xi32, #tpu.memory_space<vmem>>) semaphore(%arg13 : memref<!tpu.dma_semaphore, #tpu.memory_space<semaphore_mem>>)
      %dma_wait3A = arith.constant 0 : i32
      %dma_wait3A_46 = tpu.memref_slice %arg7[%mul3A_37, %dma_wait3A] : memref<40x125xi32, #tpu.memory_space<vmem>> -> memref<1x125xi32, #tpu.memory_space<vmem>>
      %dma_wait3A_47 = tpu.memref_squeeze %dma_wait3A_46 : memref<1x125xi32, #tpu.memory_space<vmem>> -> memref<125xi32, #tpu.memory_space<vmem>>
      %dma_wait3A_48 = arith.constant 0 : i32
      %dma_wait3A_49 = arith.constant 0 : i32
      %dma_wait3A_50 = tpu.memref_slice %arg2[%dma_wait3A_48, %dma_wait3A_49] : memref<10000x128xf32, #tpu.memory_space<hbm>> -> memref<10000x128xf32, #tpu.memory_space<hbm>>
      tpu.wait_indirect_dma semaphore(%arg12 : memref<!tpu.dma_semaphore, #tpu.memory_space<semaphore_mem>>) src(%dma_wait3A_50 : memref<10000x128xf32, #tpu.memory_space<hbm>>) dst(%arg9 : memref<125x128xf32, #tpu.memory_space<vmem>>)
      "tpu.region"() ({
        %run_scoped3A_63 = tpu.sem_alloc : memref<!tpu.dma_semaphore, #tpu.memory_space<semaphore_mem>>
        %dma_start3A_64 = arith.constant 0 : i32
        %dma_start3A_65 = tpu.memref_slice %arg8[%mul3A_37, %dma_start3A_64] : memref<40x125xi32, #tpu.memory_space<vmem>> -> memref<1x125xi32, #tpu.memory_space<vmem>>
        %dma_start3A_66 = tpu.memref_squeeze %dma_start3A_65 : memref<1x125xi32, #tpu.memory_space<vmem>> -> memref<125xi32, #tpu.memory_space<vmem>>
        %dma_start3A_67 = arith.constant 0 : i32
        %dma_start3A_68 = arith.constant 0 : i32
        %dma_start3A_69 = tpu.memref_slice %arg11[%dma_start3A_67, %dma_start3A_68] : memref<10240x128xf32, #tpu.memory_space<vmem_shared>> -> memref<10240x128xf32, #tpu.memory_space<vmem_shared>>
        tpu.enqueue_indirect_dma source(%arg9 : memref<125x128xf32, #tpu.memory_space<vmem>>) target(%dma_start3A_69 : memref<10240x128xf32, #tpu.memory_space<vmem_shared>>) offsets(%dma_start3A_66 : memref<125xi32, #tpu.memory_space<vmem>>) semaphore(%run_scoped3A_63 : memref<!tpu.dma_semaphore, #tpu.memory_space<semaphore_mem>>) {add = true}
        %dma_wait3A_70 = arith.constant 0 : i32
        %dma_wait3A_71 = tpu.memref_slice %arg8[%mul3A_37, %dma_wait3A_70] : memref<40x125xi32, #tpu.memory_space<vmem>> -> memref<1x125xi32, #tpu.memory_space<vmem>>
        %dma_wait3A_72 = tpu.memref_squeeze %dma_wait3A_71 : memref<1x125xi32, #tpu.memory_space<vmem>> -> memref<125xi32, #tpu.memory_space<vmem>>
        %dma_wait3A_73 = arith.constant 0 : i32
        %dma_wait3A_74 = arith.constant 0 : i32
        %dma_wait3A_75 = tpu.memref_slice %arg11[%dma_wait3A_73, %dma_wait3A_74] : memref<10240x128xf32, #tpu.memory_space<vmem_shared>> -> memref<10240x128xf32, #tpu.memory_space<vmem_shared>>
        tpu.wait_indirect_dma semaphore(%run_scoped3A_63 : memref<!tpu.dma_semaphore, #tpu.memory_space<semaphore_mem>>) src(%arg9 : memref<125x128xf32, #tpu.memory_space<vmem>>) dst(%dma_wait3A_75 : memref<10240x128xf32, #tpu.memory_space<vmem_shared>>)
        tpu.yield
      }) : () -> ()
      %lt3A = arith.constant 19 : i32
      %lt3A_51 = arith.cmpi slt, %scan3A_35, %lt3A : i32
      %convert_element_type3A = arith.extui %lt3A_51 : i1 to i32
      %cond3A = arith.constant 0 : i32
      %cond3A_52 = arith.cmpi ne, %convert_element_type3A, %cond3A : i32
      scf.if %cond3A_52 {
        %add3A_63 = arith.constant 2 : i32
        %add3A_64 = arith.addi %mul3A_37, %add3A_63 : i32
        %dma_start3A_65 = arith.constant 0 : i32
        %dma_start3A_66 = tpu.memref_slice %arg7[%add3A_64, %dma_start3A_65] : memref<40x125xi32, #tpu.memory_space<vmem>> -> memref<1x125xi32, #tpu.memory_space<vmem>>
        %dma_start3A_67 = tpu.memref_squeeze %dma_start3A_66 : memref<1x125xi32, #tpu.memory_space<vmem>> -> memref<125xi32, #tpu.memory_space<vmem>>
        %dma_start3A_68 = arith.constant 0 : i32
        %dma_start3A_69 = arith.constant 0 : i32
        %dma_start3A_70 = tpu.memref_slice %arg2[%dma_start3A_68, %dma_start3A_69] : memref<10000x128xf32, #tpu.memory_space<hbm>> -> memref<10000x128xf32, #tpu.memory_space<hbm>>
        tpu.enqueue_indirect_dma source(%dma_start3A_70 : memref<10000x128xf32, #tpu.memory_space<hbm>>) target(%arg9 : memref<125x128xf32, #tpu.memory_space<vmem>>) offsets(%dma_start3A_67 : memref<125xi32, #tpu.memory_space<vmem>>) semaphore(%arg12 : memref<!tpu.dma_semaphore, #tpu.memory_space<semaphore_mem>>)
      } else {
      }
      %add3A_53 = arith.constant 1 : i32
      %add3A_54 = arith.addi %mul3A_37, %add3A_53 : i32
      %dma_wait3A_55 = arith.constant 0 : i32
      %dma_wait3A_56 = tpu.memref_slice %arg7[%add3A_54, %dma_wait3A_55] : memref<40x125xi32, #tpu.memory_space<vmem>> -> memref<1x125xi32, #tpu.memory_space<vmem>>
      %dma_wait3A_57 = tpu.memref_squeeze %dma_wait3A_56 : memref<1x125xi32, #tpu.memory_space<vmem>> -> memref<125xi32, #tpu.memory_space<vmem>>
      %dma_wait3A_58 = arith.constant 0 : i32
      %dma_wait3A_59 = arith.constant 0 : i32
      %dma_wait3A_60 = tpu.memref_slice %arg2[%dma_wait3A_58, %dma_wait3A_59] : memref<10000x128xf32, #tpu.memory_space<hbm>> -> memref<10000x128xf32, #tpu.memory_space<hbm>>
      tpu.wait_indirect_dma semaphore(%arg13 : memref<!tpu.dma_semaphore, #tpu.memory_space<semaphore_mem>>) src(%dma_wait3A_60 : memref<10000x128xf32, #tpu.memory_space<hbm>>) dst(%arg10 : memref<125x128xf32, #tpu.memory_space<vmem>>)
      %add3A_61 = arith.constant 1 : i32
      %add3A_62 = arith.addi %mul3A_37, %add3A_61 : i32
      "tpu.region"() ({
        %run_scoped3A_63 = tpu.sem_alloc : memref<!tpu.dma_semaphore, #tpu.memory_space<semaphore_mem>>
        %dma_start3A_64 = arith.constant 0 : i32
        %dma_start3A_65 = tpu.memref_slice %arg8[%add3A_62, %dma_start3A_64] : memref<40x125xi32, #tpu.memory_space<vmem>> -> memref<1x125xi32, #tpu.memory_space<vmem>>
        %dma_start3A_66 = tpu.memref_squeeze %dma_start3A_65 : memref<1x125xi32, #tpu.memory_space<vmem>> -> memref<125xi32, #tpu.memory_space<vmem>>
        %dma_start3A_67 = arith.constant 0 : i32
        %dma_start3A_68 = arith.constant 0 : i32
        %dma_start3A_69 = tpu.memref_slice %arg11[%dma_start3A_67, %dma_start3A_68] : memref<10240x128xf32, #tpu.memory_space<vmem_shared>> -> memref<10240x128xf32, #tpu.memory_space<vmem_shared>>
        tpu.enqueue_indirect_dma source(%arg10 : memref<125x128xf32, #tpu.memory_space<vmem>>) target(%dma_start3A_69 : memref<10240x128xf32, #tpu.memory_space<vmem_shared>>) offsets(%dma_start3A_66 : memref<125xi32, #tpu.memory_space<vmem>>) semaphore(%run_scoped3A_63 : memref<!tpu.dma_semaphore, #tpu.memory_space<semaphore_mem>>) {add = true}
        %dma_wait3A_70 = arith.constant 0 : i32
        %dma_wait3A_71 = tpu.memref_slice %arg8[%add3A_62, %dma_wait3A_70] : memref<40x125xi32, #tpu.memory_space<vmem>> -> memref<1x125xi32, #tpu.memory_space<vmem>>
        %dma_wait3A_72 = tpu.memref_squeeze %dma_wait3A_71 : memref<1x125xi32, #tpu.memory_space<vmem>> -> memref<125xi32, #tpu.memory_space<vmem>>
        %dma_wait3A_73 = arith.constant 0 : i32
        %dma_wait3A_74 = arith.constant 0 : i32
        %dma_wait3A_75 = tpu.memref_slice %arg11[%dma_wait3A_73, %dma_wait3A_74] : memref<10240x128xf32, #tpu.memory_space<vmem_shared>> -> memref<10240x128xf32, #tpu.memory_space<vmem_shared>>
        tpu.wait_indirect_dma semaphore(%run_scoped3A_63 : memref<!tpu.dma_semaphore, #tpu.memory_space<semaphore_mem>>) src(%arg10 : memref<125x128xf32, #tpu.memory_space<vmem>>) dst(%dma_wait3A_75 : memref<10240x128xf32, #tpu.memory_space<vmem_shared>>)
        tpu.yield
      }) : () -> ()
    }
    %scan3A_29 = arith.constant 20 : i32
    %barrier3A_30 = arith.constant 0 : index
    tpu.barrier barrier_id(%barrier3A_30)
    %mul3A_31 = arith.constant 640 : i32
    %mul3A_32 = arith.muli %arg1, %mul3A_31 : i32
    %mul3A_33 = arith.constant 640 : i32
    %mul3A_34 = arith.muli %arg1, %mul3A_33 : i32
    "tpu.region"() ({
      %run_scoped3A_35 = tpu.sem_alloc : memref<!tpu.dma_semaphore, #tpu.memory_space<semaphore_mem>>
      %dma_start3A_36 = arith.constant 0 : i32
      %dma_start3A_37 = tpu.memref_slice %arg6[%arg0, %mul3A_34, %dma_start3A_36] : memref<2x10240x128xf32, #tpu.memory_space<hbm>> -> memref<1x640x128xf32, #tpu.memory_space<hbm>>
      %dma_start3A_38 = tpu.memref_squeeze %dma_start3A_37 : memref<1x640x128xf32, #tpu.memory_space<hbm>> -> memref<640x128xf32, #tpu.memory_space<hbm>>
      %dma_start3A_39 = arith.constant 0 : i32
      %dma_start3A_40 = tpu.memref_slice %arg11[%mul3A_32, %dma_start3A_39] : memref<10240x128xf32, #tpu.memory_space<vmem_shared>> -> memref<640x128xf32, #tpu.memory_space<vmem_shared>>
      tpu.enqueue_dma source(%dma_start3A_40 : memref<640x128xf32, #tpu.memory_space<vmem_shared>>) target(%dma_start3A_38 : memref<640x128xf32, #tpu.memory_space<hbm>>) target_semaphore(%run_scoped3A_35 : memref<!tpu.dma_semaphore, #tpu.memory_space<semaphore_mem>>)
      %dma_wait3A = arith.constant 0 : i32
      %dma_wait3A_41 = tpu.memref_slice %arg6[%arg0, %mul3A_34, %dma_wait3A] : memref<2x10240x128xf32, #tpu.memory_space<hbm>> -> memref<1x640x128xf32, #tpu.memory_space<hbm>>
      %dma_wait3A_42 = tpu.memref_squeeze %dma_wait3A_41 : memref<1x640x128xf32, #tpu.memory_space<hbm>> -> memref<640x128xf32, #tpu.memory_space<hbm>>
      %dma_wait3A_43 = arith.constant 0 : i32
      %dma_wait3A_44 = tpu.memref_slice %arg11[%mul3A_32, %dma_wait3A_43] : memref<10240x128xf32, #tpu.memory_space<vmem_shared>> -> memref<640x128xf32, #tpu.memory_space<vmem_shared>>
      tpu.wait_dma2 semaphore(%run_scoped3A_35 : memref<!tpu.dma_semaphore, #tpu.memory_space<semaphore_mem>>) src(%dma_wait3A_44 : memref<640x128xf32, #tpu.memory_space<vmem_shared>>) dst(%dma_wait3A_42 : memref<640x128xf32, #tpu.memory_space<hbm>>)
      tpu.yield
    }) : () -> ()
    return
  }
}

#map = affine_map<(d0, d1) -> (0, 0)>
#map1 = affine_map<(d0, d1) -> (0, 0, 0, 0)>
#map2 = affine_map<(d0, d1) -> (0, 0, 0)>
module attributes {stable_mosaic.version = 14 : i64} {
  func.func @_sc_segsum(%arg0: i32, %arg1: i32, %arg2: memref<10000x128xf32, #tpu.memory_space<hbm>>, %arg3: memref<32x2x40x125xi32, #tpu.memory_space<hbm>>, %arg4: memref<32x2x40x125xi32, #tpu.memory_space<hbm>>, %arg5: memref<640x128xf32, #tpu.memory_space<hbm>>, %arg6: memref<2x10240x128xf32, #tpu.memory_space<hbm>>, %arg7: memref<40x125xi32, #tpu.memory_space<vmem>>, %arg8: memref<40x125xi32, #tpu.memory_space<vmem>>, %arg9: memref<125x128xf32, #tpu.memory_space<vmem>>, %arg10: memref<125x128xf32, #tpu.memory_space<vmem>>, %arg11: memref<10240x128xf32, #tpu.memory_space<vmem_shared>>, %arg12: memref<!tpu.dma_semaphore, #tpu.memory_space<semaphore_mem>>, %arg13: memref<!tpu.dma_semaphore, #tpu.memory_space<semaphore_mem>>) attributes {dimension_semantics = [#tpu.dimension_semantics<core_parallel>, #tpu.dimension_semantics<subcore_parallel>], iteration_bounds = array<i64: 2, 16>, scalar_prefetch = 0 : i64, scratch_operands = 7 : i64, tpu.core_type = #tpu.core_type<sc_vector_subcore>, window_params = [{transform_indices = #map}, {transform_indices = #map1}, {transform_indices = #map1}, {transform_indices = #map}, {transform_indices = #map2}]} {
    %mul3A = arith.constant 16 : i32
    %mul3A_0 = arith.muli %arg0, %mul3A : i32
    %add3A = arith.addi %mul3A_0, %arg1 : i32
    %mul3A_1 = arith.constant 640 : i32
    %mul3A_2 = arith.muli %arg1, %mul3A_1 : i32
    "tpu.region"() ({
      %run_scoped3A_35 = tpu.sem_alloc : memref<!tpu.dma_semaphore, #tpu.memory_space<semaphore_mem>>
      %dma_start3A_36 = arith.constant 0 : i32
      %dma_start3A_37 = tpu.memref_slice %arg11[%mul3A_2, %dma_start3A_36] : memref<10240x128xf32, #tpu.memory_space<vmem_shared>> -> memref<640x128xf32, #tpu.memory_space<vmem_shared>>
      tpu.enqueue_dma source(%arg5 : memref<640x128xf32, #tpu.memory_space<hbm>>) target(%dma_start3A_37 : memref<640x128xf32, #tpu.memory_space<vmem_shared>>) target_semaphore(%run_scoped3A_35 : memref<!tpu.dma_semaphore, #tpu.memory_space<semaphore_mem>>)
      %dma_wait3A = arith.constant 0 : i32
      %dma_wait3A_38 = tpu.memref_slice %arg11[%mul3A_2, %dma_wait3A] : memref<10240x128xf32, #tpu.memory_space<vmem_shared>> -> memref<640x128xf32, #tpu.memory_space<vmem_shared>>
      tpu.wait_dma2 semaphore(%run_scoped3A_35 : memref<!tpu.dma_semaphore, #tpu.memory_space<semaphore_mem>>) src(%arg5 : memref<640x128xf32, #tpu.memory_space<hbm>>) dst(%dma_wait3A_38 : memref<640x128xf32, #tpu.memory_space<vmem_shared>>)
      tpu.yield
    }) : () -> ()
    %barrier3A = arith.constant 0 : index
    tpu.barrier barrier_id(%barrier3A)
    %run_scoped3A = arith.constant 0 : i32
    "tpu.region"() ({
      %run_scoped3A_35 = tpu.sem_alloc : memref<!tpu.dma_semaphore, #tpu.memory_space<semaphore_mem>>
      %dma_start3A_36 = arith.constant 0 : i32
      %dma_start3A_37 = arith.constant 0 : i32
      %dma_start3A_38 = arith.constant 0 : i32
      %dma_start3A_39 = tpu.memref_slice %arg3[%add3A, %dma_start3A_36, %dma_start3A_37, %dma_start3A_38] : memref<32x2x40x125xi32, #tpu.memory_space<hbm>> -> memref<1x2x40x125xi32, #tpu.memory_space<hbm>>
      %dma_start3A_40 = tpu.memref_squeeze %dma_start3A_39 : memref<1x2x40x125xi32, #tpu.memory_space<hbm>> -> memref<2x40x125xi32, #tpu.memory_space<hbm>>
      %dma_start3A_41 = arith.constant 0 : i32
      %dma_start3A_42 = arith.constant 0 : i32
      %dma_start3A_43 = tpu.memref_slice %dma_start3A_40[%run_scoped3A, %dma_start3A_41, %dma_start3A_42] : memref<2x40x125xi32, #tpu.memory_space<hbm>> -> memref<1x40x125xi32, #tpu.memory_space<hbm>>
      %dma_start3A_44 = tpu.memref_squeeze %dma_start3A_43 : memref<1x40x125xi32, #tpu.memory_space<hbm>> -> memref<40x125xi32, #tpu.memory_space<hbm>>
      %dma_start3A_45 = arith.constant 0 : i32
      %dma_start3A_46 = arith.constant 0 : i32
      %dma_start3A_47 = arith.constant 0 : i32
      %dma_start3A_48 = tpu.memref_slice %arg3[%add3A, %dma_start3A_45, %dma_start3A_46, %dma_start3A_47] : memref<32x2x40x125xi32, #tpu.memory_space<hbm>> -> memref<1x2x40x125xi32, #tpu.memory_space<hbm>>
      %dma_start3A_49 = tpu.memref_squeeze %dma_start3A_48 : memref<1x2x40x125xi32, #tpu.memory_space<hbm>> -> memref<2x40x125xi32, #tpu.memory_space<hbm>>
      %dma_start3A_50 = arith.constant 0 : i32
      %dma_start3A_51 = arith.constant 0 : i32
      %dma_start3A_52 = tpu.memref_slice %dma_start3A_49[%run_scoped3A, %dma_start3A_50, %dma_start3A_51] : memref<2x40x125xi32, #tpu.memory_space<hbm>> -> memref<1x40x125xi32, #tpu.memory_space<hbm>>
      %dma_start3A_53 = tpu.memref_squeeze %dma_start3A_52 : memref<1x40x125xi32, #tpu.memory_space<hbm>> -> memref<40x125xi32, #tpu.memory_space<hbm>>
      tpu.enqueue_dma source(%dma_start3A_53 : memref<40x125xi32, #tpu.memory_space<hbm>>) target(%arg7 : memref<40x125xi32, #tpu.memory_space<vmem>>) target_semaphore(%run_scoped3A_35 : memref<!tpu.dma_semaphore, #tpu.memory_space<semaphore_mem>>)
      %dma_wait3A = arith.constant 0 : i32
      %dma_wait3A_54 = arith.constant 0 : i32
      %dma_wait3A_55 = arith.constant 0 : i32
      %dma_wait3A_56 = tpu.memref_slice %arg3[%add3A, %dma_wait3A, %dma_wait3A_54, %dma_wait3A_55] : memref<32x2x40x125xi32, #tpu.memory_space<hbm>> -> memref<1x2x40x125xi32, #tpu.memory_space<hbm>>
      %dma_wait3A_57 = tpu.memref_squeeze %dma_wait3A_56 : memref<1x2x40x125xi32, #tpu.memory_space<hbm>> -> memref<2x40x125xi32, #tpu.memory_space<hbm>>
      %dma_wait3A_58 = arith.constant 0 : i32
      %dma_wait3A_59 = arith.constant 0 : i32
      %dma_wait3A_60 = tpu.memref_slice %dma_wait3A_57[%run_scoped3A, %dma_wait3A_58, %dma_wait3A_59] : memref<2x40x125xi32, #tpu.memory_space<hbm>> -> memref<1x40x125xi32, #tpu.memory_space<hbm>>
      %dma_wait3A_61 = tpu.memref_squeeze %dma_wait3A_60 : memref<1x40x125xi32, #tpu.memory_space<hbm>> -> memref<40x125xi32, #tpu.memory_space<hbm>>
      %dma_wait3A_62 = arith.constant 0 : i32
      %dma_wait3A_63 = arith.constant 0 : i32
      %dma_wait3A_64 = arith.constant 0 : i32
      %dma_wait3A_65 = tpu.memref_slice %arg3[%add3A, %dma_wait3A_62, %dma_wait3A_63, %dma_wait3A_64] : memref<32x2x40x125xi32, #tpu.memory_space<hbm>> -> memref<1x2x40x125xi32, #tpu.memory_space<hbm>>
      %dma_wait3A_66 = tpu.memref_squeeze %dma_wait3A_65 : memref<1x2x40x125xi32, #tpu.memory_space<hbm>> -> memref<2x40x125xi32, #tpu.memory_space<hbm>>
      %dma_wait3A_67 = arith.constant 0 : i32
      %dma_wait3A_68 = arith.constant 0 : i32
      %dma_wait3A_69 = tpu.memref_slice %dma_wait3A_66[%run_scoped3A, %dma_wait3A_67, %dma_wait3A_68] : memref<2x40x125xi32, #tpu.memory_space<hbm>> -> memref<1x40x125xi32, #tpu.memory_space<hbm>>
      %dma_wait3A_70 = tpu.memref_squeeze %dma_wait3A_69 : memref<1x40x125xi32, #tpu.memory_space<hbm>> -> memref<40x125xi32, #tpu.memory_space<hbm>>
      tpu.wait_dma2 semaphore(%run_scoped3A_35 : memref<!tpu.dma_semaphore, #tpu.memory_space<semaphore_mem>>) src(%dma_wait3A_70 : memref<40x125xi32, #tpu.memory_space<hbm>>) dst(%arg7 : memref<40x125xi32, #tpu.memory_space<vmem>>)
      tpu.yield
    }) : () -> ()
    %run_scoped3A_3 = arith.constant 0 : i32
    "tpu.region"() ({
      %run_scoped3A_35 = tpu.sem_alloc : memref<!tpu.dma_semaphore, #tpu.memory_space<semaphore_mem>>
      %dma_start3A_36 = arith.constant 0 : i32
      %dma_start3A_37 = arith.constant 0 : i32
      %dma_start3A_38 = arith.constant 0 : i32
      %dma_start3A_39 = tpu.memref_slice %arg4[%add3A, %dma_start3A_36, %dma_start3A_37, %dma_start3A_38] : memref<32x2x40x125xi32, #tpu.memory_space<hbm>> -> memref<1x2x40x125xi32, #tpu.memory_space<hbm>>
      %dma_start3A_40 = tpu.memref_squeeze %dma_start3A_39 : memref<1x2x40x125xi32, #tpu.memory_space<hbm>> -> memref<2x40x125xi32, #tpu.memory_space<hbm>>
      %dma_start3A_41 = arith.constant 0 : i32
      %dma_start3A_42 = arith.constant 0 : i32
      %dma_start3A_43 = tpu.memref_slice %dma_start3A_40[%run_scoped3A_3, %dma_start3A_41, %dma_start3A_42] : memref<2x40x125xi32, #tpu.memory_space<hbm>> -> memref<1x40x125xi32, #tpu.memory_space<hbm>>
      %dma_start3A_44 = tpu.memref_squeeze %dma_start3A_43 : memref<1x40x125xi32, #tpu.memory_space<hbm>> -> memref<40x125xi32, #tpu.memory_space<hbm>>
      %dma_start3A_45 = arith.constant 0 : i32
      %dma_start3A_46 = arith.constant 0 : i32
      %dma_start3A_47 = arith.constant 0 : i32
      %dma_start3A_48 = tpu.memref_slice %arg4[%add3A, %dma_start3A_45, %dma_start3A_46, %dma_start3A_47] : memref<32x2x40x125xi32, #tpu.memory_space<hbm>> -> memref<1x2x40x125xi32, #tpu.memory_space<hbm>>
      %dma_start3A_49 = tpu.memref_squeeze %dma_start3A_48 : memref<1x2x40x125xi32, #tpu.memory_space<hbm>> -> memref<2x40x125xi32, #tpu.memory_space<hbm>>
      %dma_start3A_50 = arith.constant 0 : i32
      %dma_start3A_51 = arith.constant 0 : i32
      %dma_start3A_52 = tpu.memref_slice %dma_start3A_49[%run_scoped3A_3, %dma_start3A_50, %dma_start3A_51] : memref<2x40x125xi32, #tpu.memory_space<hbm>> -> memref<1x40x125xi32, #tpu.memory_space<hbm>>
      %dma_start3A_53 = tpu.memref_squeeze %dma_start3A_52 : memref<1x40x125xi32, #tpu.memory_space<hbm>> -> memref<40x125xi32, #tpu.memory_space<hbm>>
      tpu.enqueue_dma source(%dma_start3A_53 : memref<40x125xi32, #tpu.memory_space<hbm>>) target(%arg8 : memref<40x125xi32, #tpu.memory_space<vmem>>) target_semaphore(%run_scoped3A_35 : memref<!tpu.dma_semaphore, #tpu.memory_space<semaphore_mem>>)
      %dma_wait3A = arith.constant 0 : i32
      %dma_wait3A_54 = arith.constant 0 : i32
      %dma_wait3A_55 = arith.constant 0 : i32
      %dma_wait3A_56 = tpu.memref_slice %arg4[%add3A, %dma_wait3A, %dma_wait3A_54, %dma_wait3A_55] : memref<32x2x40x125xi32, #tpu.memory_space<hbm>> -> memref<1x2x40x125xi32, #tpu.memory_space<hbm>>
      %dma_wait3A_57 = tpu.memref_squeeze %dma_wait3A_56 : memref<1x2x40x125xi32, #tpu.memory_space<hbm>> -> memref<2x40x125xi32, #tpu.memory_space<hbm>>
      %dma_wait3A_58 = arith.constant 0 : i32
      %dma_wait3A_59 = arith.constant 0 : i32
      %dma_wait3A_60 = tpu.memref_slice %dma_wait3A_57[%run_scoped3A_3, %dma_wait3A_58, %dma_wait3A_59] : memref<2x40x125xi32, #tpu.memory_space<hbm>> -> memref<1x40x125xi32, #tpu.memory_space<hbm>>
      %dma_wait3A_61 = tpu.memref_squeeze %dma_wait3A_60 : memref<1x40x125xi32, #tpu.memory_space<hbm>> -> memref<40x125xi32, #tpu.memory_space<hbm>>
      %dma_wait3A_62 = arith.constant 0 : i32
      %dma_wait3A_63 = arith.constant 0 : i32
      %dma_wait3A_64 = arith.constant 0 : i32
      %dma_wait3A_65 = tpu.memref_slice %arg4[%add3A, %dma_wait3A_62, %dma_wait3A_63, %dma_wait3A_64] : memref<32x2x40x125xi32, #tpu.memory_space<hbm>> -> memref<1x2x40x125xi32, #tpu.memory_space<hbm>>
      %dma_wait3A_66 = tpu.memref_squeeze %dma_wait3A_65 : memref<1x2x40x125xi32, #tpu.memory_space<hbm>> -> memref<2x40x125xi32, #tpu.memory_space<hbm>>
      %dma_wait3A_67 = arith.constant 0 : i32
      %dma_wait3A_68 = arith.constant 0 : i32
      %dma_wait3A_69 = tpu.memref_slice %dma_wait3A_66[%run_scoped3A_3, %dma_wait3A_67, %dma_wait3A_68] : memref<2x40x125xi32, #tpu.memory_space<hbm>> -> memref<1x40x125xi32, #tpu.memory_space<hbm>>
      %dma_wait3A_70 = tpu.memref_squeeze %dma_wait3A_69 : memref<1x40x125xi32, #tpu.memory_space<hbm>> -> memref<40x125xi32, #tpu.memory_space<hbm>>
      tpu.wait_dma2 semaphore(%run_scoped3A_35 : memref<!tpu.dma_semaphore, #tpu.memory_space<semaphore_mem>>) src(%dma_wait3A_70 : memref<40x125xi32, #tpu.memory_space<hbm>>) dst(%arg8 : memref<40x125xi32, #tpu.memory_space<vmem>>)
      tpu.yield
    }) : () -> ()
    %dma_start3A = arith.constant 0 : i32
    %dma_start3A_4 = arith.constant 0 : i32
    %dma_start3A_5 = tpu.memref_slice %arg7[%dma_start3A, %dma_start3A_4] : memref<40x125xi32, #tpu.memory_space<vmem>> -> memref<1x125xi32, #tpu.memory_space<vmem>>
    %dma_start3A_6 = tpu.memref_squeeze %dma_start3A_5 : memref<1x125xi32, #tpu.memory_space<vmem>> -> memref<125xi32, #tpu.memory_space<vmem>>
    %dma_start3A_7 = arith.constant 0 : i32
    %dma_start3A_8 = arith.constant 0 : i32
    %dma_start3A_9 = tpu.memref_slice %arg2[%dma_start3A_7, %dma_start3A_8] : memref<10000x128xf32, #tpu.memory_space<hbm>> -> memref<10000x128xf32, #tpu.memory_space<hbm>>
    tpu.enqueue_indirect_dma source(%dma_start3A_9 : memref<10000x128xf32, #tpu.memory_space<hbm>>) target(%arg9 : memref<125x128xf32, #tpu.memory_space<vmem>>) offsets(%dma_start3A_6 : memref<125xi32, #tpu.memory_space<vmem>>) semaphore(%arg12 : memref<!tpu.dma_semaphore, #tpu.memory_space<semaphore_mem>>)
    %scan3A = arith.constant 0 : i32
    %scan3A_10 = arith.constant 0 : i32
    %scan3A_11 = arith.constant 20 : i32
    %scan3A_12 = arith.addi %scan3A_10, %scan3A_11 : i32
    %scan3A_13 = arith.constant 1 : i32
    scf.for %scan3A_35 = %scan3A_10 to %scan3A_12 step %scan3A_13  : i32 {
      %mul3A_36 = arith.constant 2 : i32
      %mul3A_37 = arith.muli %mul3A_36, %scan3A_35 : i32
      %add3A_38 = arith.constant 1 : i32
      %add3A_39 = arith.addi %mul3A_37, %add3A_38 : i32
      %dma_start3A_40 = arith.constant 0 : i32
      %dma_start3A_41 = tpu.memref_slice %arg7[%add3A_39, %dma_start3A_40] : memref<40x125xi32, #tpu.memory_space<vmem>> -> memref<1x125xi32, #tpu.memory_space<vmem>>
      %dma_start3A_42 = tpu.memref_squeeze %dma_start3A_41 : memref<1x125xi32, #tpu.memory_space<vmem>> -> memref<125xi32, #tpu.memory_space<vmem>>
      %dma_start3A_43 = arith.constant 0 : i32
      %dma_start3A_44 = arith.constant 0 : i32
      %dma_start3A_45 = tpu.memref_slice %arg2[%dma_start3A_43, %dma_start3A_44] : memref<10000x128xf32, #tpu.memory_space<hbm>> -> memref<10000x128xf32, #tpu.memory_space<hbm>>
      tpu.enqueue_indirect_dma source(%dma_start3A_45 : memref<10000x128xf32, #tpu.memory_space<hbm>>) target(%arg10 : memref<125x128xf32, #tpu.memory_space<vmem>>) offsets(%dma_start3A_42 : memref<125xi32, #tpu.memory_space<vmem>>) semaphore(%arg13 : memref<!tpu.dma_semaphore, #tpu.memory_space<semaphore_mem>>)
      %dma_wait3A = arith.constant 0 : i32
      %dma_wait3A_46 = tpu.memref_slice %arg7[%mul3A_37, %dma_wait3A] : memref<40x125xi32, #tpu.memory_space<vmem>> -> memref<1x125xi32, #tpu.memory_space<vmem>>
      %dma_wait3A_47 = tpu.memref_squeeze %dma_wait3A_46 : memref<1x125xi32, #tpu.memory_space<vmem>> -> memref<125xi32, #tpu.memory_space<vmem>>
      %dma_wait3A_48 = arith.constant 0 : i32
      %dma_wait3A_49 = arith.constant 0 : i32
      %dma_wait3A_50 = tpu.memref_slice %arg2[%dma_wait3A_48, %dma_wait3A_49] : memref<10000x128xf32, #tpu.memory_space<hbm>> -> memref<10000x128xf32, #tpu.memory_space<hbm>>
      tpu.wait_indirect_dma semaphore(%arg12 : memref<!tpu.dma_semaphore, #tpu.memory_space<semaphore_mem>>) src(%dma_wait3A_50 : memref<10000x128xf32, #tpu.memory_space<hbm>>) dst(%arg9 : memref<125x128xf32, #tpu.memory_space<vmem>>)
      "tpu.region"() ({
        %run_scoped3A_63 = tpu.sem_alloc : memref<!tpu.dma_semaphore, #tpu.memory_space<semaphore_mem>>
        %dma_start3A_64 = arith.constant 0 : i32
        %dma_start3A_65 = tpu.memref_slice %arg8[%mul3A_37, %dma_start3A_64] : memref<40x125xi32, #tpu.memory_space<vmem>> -> memref<1x125xi32, #tpu.memory_space<vmem>>
        %dma_start3A_66 = tpu.memref_squeeze %dma_start3A_65 : memref<1x125xi32, #tpu.memory_space<vmem>> -> memref<125xi32, #tpu.memory_space<vmem>>
        %dma_start3A_67 = arith.constant 0 : i32
        %dma_start3A_68 = arith.constant 0 : i32
        %dma_start3A_69 = tpu.memref_slice %arg11[%dma_start3A_67, %dma_start3A_68] : memref<10240x128xf32, #tpu.memory_space<vmem_shared>> -> memref<10240x128xf32, #tpu.memory_space<vmem_shared>>
        tpu.enqueue_indirect_dma source(%arg9 : memref<125x128xf32, #tpu.memory_space<vmem>>) target(%dma_start3A_69 : memref<10240x128xf32, #tpu.memory_space<vmem_shared>>) offsets(%dma_start3A_66 : memref<125xi32, #tpu.memory_space<vmem>>) semaphore(%run_scoped3A_63 : memref<!tpu.dma_semaphore, #tpu.memory_space<semaphore_mem>>) {add = true}
        %dma_wait3A_70 = arith.constant 0 : i32
        %dma_wait3A_71 = tpu.memref_slice %arg8[%mul3A_37, %dma_wait3A_70] : memref<40x125xi32, #tpu.memory_space<vmem>> -> memref<1x125xi32, #tpu.memory_space<vmem>>
        %dma_wait3A_72 = tpu.memref_squeeze %dma_wait3A_71 : memref<1x125xi32, #tpu.memory_space<vmem>> -> memref<125xi32, #tpu.memory_space<vmem>>
        %dma_wait3A_73 = arith.constant 0 : i32
        %dma_wait3A_74 = arith.constant 0 : i32
        %dma_wait3A_75 = tpu.memref_slice %arg11[%dma_wait3A_73, %dma_wait3A_74] : memref<10240x128xf32, #tpu.memory_space<vmem_shared>> -> memref<10240x128xf32, #tpu.memory_space<vmem_shared>>
        tpu.wait_indirect_dma semaphore(%run_scoped3A_63 : memref<!tpu.dma_semaphore, #tpu.memory_space<semaphore_mem>>) src(%arg9 : memref<125x128xf32, #tpu.memory_space<vmem>>) dst(%dma_wait3A_75 : memref<10240x128xf32, #tpu.memory_space<vmem_shared>>)
        tpu.yield
      }) : () -> ()
      %lt3A = arith.constant 19 : i32
      %lt3A_51 = arith.cmpi slt, %scan3A_35, %lt3A : i32
      %convert_element_type3A = arith.extui %lt3A_51 : i1 to i32
      %cond3A = arith.constant 0 : i32
      %cond3A_52 = arith.cmpi ne, %convert_element_type3A, %cond3A : i32
      scf.if %cond3A_52 {
        %add3A_63 = arith.constant 2 : i32
        %add3A_64 = arith.addi %mul3A_37, %add3A_63 : i32
        %dma_start3A_65 = arith.constant 0 : i32
        %dma_start3A_66 = tpu.memref_slice %arg7[%add3A_64, %dma_start3A_65] : memref<40x125xi32, #tpu.memory_space<vmem>> -> memref<1x125xi32, #tpu.memory_space<vmem>>
        %dma_start3A_67 = tpu.memref_squeeze %dma_start3A_66 : memref<1x125xi32, #tpu.memory_space<vmem>> -> memref<125xi32, #tpu.memory_space<vmem>>
        %dma_start3A_68 = arith.constant 0 : i32
        %dma_start3A_69 = arith.constant 0 : i32
        %dma_start3A_70 = tpu.memref_slice %arg2[%dma_start3A_68, %dma_start3A_69] : memref<10000x128xf32, #tpu.memory_space<hbm>> -> memref<10000x128xf32, #tpu.memory_space<hbm>>
        tpu.enqueue_indirect_dma source(%dma_start3A_70 : memref<10000x128xf32, #tpu.memory_space<hbm>>) target(%arg9 : memref<125x128xf32, #tpu.memory_space<vmem>>) offsets(%dma_start3A_67 : memref<125xi32, #tpu.memory_space<vmem>>) semaphore(%arg12 : memref<!tpu.dma_semaphore, #tpu.memory_space<semaphore_mem>>)
      } else {
      }
      %add3A_53 = arith.constant 1 : i32
      %add3A_54 = arith.addi %mul3A_37, %add3A_53 : i32
      %dma_wait3A_55 = arith.constant 0 : i32
      %dma_wait3A_56 = tpu.memref_slice %arg7[%add3A_54, %dma_wait3A_55] : memref<40x125xi32, #tpu.memory_space<vmem>> -> memref<1x125xi32, #tpu.memory_space<vmem>>
      %dma_wait3A_57 = tpu.memref_squeeze %dma_wait3A_56 : memref<1x125xi32, #tpu.memory_space<vmem>> -> memref<125xi32, #tpu.memory_space<vmem>>
      %dma_wait3A_58 = arith.constant 0 : i32
      %dma_wait3A_59 = arith.constant 0 : i32
      %dma_wait3A_60 = tpu.memref_slice %arg2[%dma_wait3A_58, %dma_wait3A_59] : memref<10000x128xf32, #tpu.memory_space<hbm>> -> memref<10000x128xf32, #tpu.memory_space<hbm>>
      tpu.wait_indirect_dma semaphore(%arg13 : memref<!tpu.dma_semaphore, #tpu.memory_space<semaphore_mem>>) src(%dma_wait3A_60 : memref<10000x128xf32, #tpu.memory_space<hbm>>) dst(%arg10 : memref<125x128xf32, #tpu.memory_space<vmem>>)
      %add3A_61 = arith.constant 1 : i32
      %add3A_62 = arith.addi %mul3A_37, %add3A_61 : i32
      "tpu.region"() ({
        %run_scoped3A_63 = tpu.sem_alloc : memref<!tpu.dma_semaphore, #tpu.memory_space<semaphore_mem>>
        %dma_start3A_64 = arith.constant 0 : i32
        %dma_start3A_65 = tpu.memref_slice %arg8[%add3A_62, %dma_start3A_64] : memref<40x125xi32, #tpu.memory_space<vmem>> -> memref<1x125xi32, #tpu.memory_space<vmem>>
        %dma_start3A_66 = tpu.memref_squeeze %dma_start3A_65 : memref<1x125xi32, #tpu.memory_space<vmem>> -> memref<125xi32, #tpu.memory_space<vmem>>
        %dma_start3A_67 = arith.constant 0 : i32
        %dma_start3A_68 = arith.constant 0 : i32
        %dma_start3A_69 = tpu.memref_slice %arg11[%dma_start3A_67, %dma_start3A_68] : memref<10240x128xf32, #tpu.memory_space<vmem_shared>> -> memref<10240x128xf32, #tpu.memory_space<vmem_shared>>
        tpu.enqueue_indirect_dma source(%arg10 : memref<125x128xf32, #tpu.memory_space<vmem>>) target(%dma_start3A_69 : memref<10240x128xf32, #tpu.memory_space<vmem_shared>>) offsets(%dma_start3A_66 : memref<125xi32, #tpu.memory_space<vmem>>) semaphore(%run_scoped3A_63 : memref<!tpu.dma_semaphore, #tpu.memory_space<semaphore_mem>>) {add = true}
        %dma_wait3A_70 = arith.constant 0 : i32
        %dma_wait3A_71 = tpu.memref_slice %arg8[%add3A_62, %dma_wait3A_70] : memref<40x125xi32, #tpu.memory_space<vmem>> -> memref<1x125xi32, #tpu.memory_space<vmem>>
        %dma_wait3A_72 = tpu.memref_squeeze %dma_wait3A_71 : memref<1x125xi32, #tpu.memory_space<vmem>> -> memref<125xi32, #tpu.memory_space<vmem>>
        %dma_wait3A_73 = arith.constant 0 : i32
        %dma_wait3A_74 = arith.constant 0 : i32
        %dma_wait3A_75 = tpu.memref_slice %arg11[%dma_wait3A_73, %dma_wait3A_74] : memref<10240x128xf32, #tpu.memory_space<vmem_shared>> -> memref<10240x128xf32, #tpu.memory_space<vmem_shared>>
        tpu.wait_indirect_dma semaphore(%run_scoped3A_63 : memref<!tpu.dma_semaphore, #tpu.memory_space<semaphore_mem>>) src(%arg10 : memref<125x128xf32, #tpu.memory_space<vmem>>) dst(%dma_wait3A_75 : memref<10240x128xf32, #tpu.memory_space<vmem_shared>>)
        tpu.yield
      }) : () -> ()
    }
    %scan3A_14 = arith.constant 20 : i32
    %run_scoped3A_15 = arith.constant 1 : i32
    "tpu.region"() ({
      %run_scoped3A_35 = tpu.sem_alloc : memref<!tpu.dma_semaphore, #tpu.memory_space<semaphore_mem>>
      %dma_start3A_36 = arith.constant 0 : i32
      %dma_start3A_37 = arith.constant 0 : i32
      %dma_start3A_38 = arith.constant 0 : i32
      %dma_start3A_39 = tpu.memref_slice %arg3[%add3A, %dma_start3A_36, %dma_start3A_37, %dma_start3A_38] : memref<32x2x40x125xi32, #tpu.memory_space<hbm>> -> memref<1x2x40x125xi32, #tpu.memory_space<hbm>>
      %dma_start3A_40 = tpu.memref_squeeze %dma_start3A_39 : memref<1x2x40x125xi32, #tpu.memory_space<hbm>> -> memref<2x40x125xi32, #tpu.memory_space<hbm>>
      %dma_start3A_41 = arith.constant 0 : i32
      %dma_start3A_42 = arith.constant 0 : i32
      %dma_start3A_43 = tpu.memref_slice %dma_start3A_40[%run_scoped3A_15, %dma_start3A_41, %dma_start3A_42] : memref<2x40x125xi32, #tpu.memory_space<hbm>> -> memref<1x40x125xi32, #tpu.memory_space<hbm>>
      %dma_start3A_44 = tpu.memref_squeeze %dma_start3A_43 : memref<1x40x125xi32, #tpu.memory_space<hbm>> -> memref<40x125xi32, #tpu.memory_space<hbm>>
      %dma_start3A_45 = arith.constant 0 : i32
      %dma_start3A_46 = arith.constant 0 : i32
      %dma_start3A_47 = arith.constant 0 : i32
      %dma_start3A_48 = tpu.memref_slice %arg3[%add3A, %dma_start3A_45, %dma_start3A_46, %dma_start3A_47] : memref<32x2x40x125xi32, #tpu.memory_space<hbm>> -> memref<1x2x40x125xi32, #tpu.memory_space<hbm>>
      %dma_start3A_49 = tpu.memref_squeeze %dma_start3A_48 : memref<1x2x40x125xi32, #tpu.memory_space<hbm>> -> memref<2x40x125xi32, #tpu.memory_space<hbm>>
      %dma_start3A_50 = arith.constant 0 : i32
      %dma_start3A_51 = arith.constant 0 : i32
      %dma_start3A_52 = tpu.memref_slice %dma_start3A_49[%run_scoped3A_15, %dma_start3A_50, %dma_start3A_51] : memref<2x40x125xi32, #tpu.memory_space<hbm>> -> memref<1x40x125xi32, #tpu.memory_space<hbm>>
      %dma_start3A_53 = tpu.memref_squeeze %dma_start3A_52 : memref<1x40x125xi32, #tpu.memory_space<hbm>> -> memref<40x125xi32, #tpu.memory_space<hbm>>
      tpu.enqueue_dma source(%dma_start3A_53 : memref<40x125xi32, #tpu.memory_space<hbm>>) target(%arg7 : memref<40x125xi32, #tpu.memory_space<vmem>>) target_semaphore(%run_scoped3A_35 : memref<!tpu.dma_semaphore, #tpu.memory_space<semaphore_mem>>)
      %dma_wait3A = arith.constant 0 : i32
      %dma_wait3A_54 = arith.constant 0 : i32
      %dma_wait3A_55 = arith.constant 0 : i32
      %dma_wait3A_56 = tpu.memref_slice %arg3[%add3A, %dma_wait3A, %dma_wait3A_54, %dma_wait3A_55] : memref<32x2x40x125xi32, #tpu.memory_space<hbm>> -> memref<1x2x40x125xi32, #tpu.memory_space<hbm>>
      %dma_wait3A_57 = tpu.memref_squeeze %dma_wait3A_56 : memref<1x2x40x125xi32, #tpu.memory_space<hbm>> -> memref<2x40x125xi32, #tpu.memory_space<hbm>>
      %dma_wait3A_58 = arith.constant 0 : i32
      %dma_wait3A_59 = arith.constant 0 : i32
      %dma_wait3A_60 = tpu.memref_slice %dma_wait3A_57[%run_scoped3A_15, %dma_wait3A_58, %dma_wait3A_59] : memref<2x40x125xi32, #tpu.memory_space<hbm>> -> memref<1x40x125xi32, #tpu.memory_space<hbm>>
      %dma_wait3A_61 = tpu.memref_squeeze %dma_wait3A_60 : memref<1x40x125xi32, #tpu.memory_space<hbm>> -> memref<40x125xi32, #tpu.memory_space<hbm>>
      %dma_wait3A_62 = arith.constant 0 : i32
      %dma_wait3A_63 = arith.constant 0 : i32
      %dma_wait3A_64 = arith.constant 0 : i32
      %dma_wait3A_65 = tpu.memref_slice %arg3[%add3A, %dma_wait3A_62, %dma_wait3A_63, %dma_wait3A_64] : memref<32x2x40x125xi32, #tpu.memory_space<hbm>> -> memref<1x2x40x125xi32, #tpu.memory_space<hbm>>
      %dma_wait3A_66 = tpu.memref_squeeze %dma_wait3A_65 : memref<1x2x40x125xi32, #tpu.memory_space<hbm>> -> memref<2x40x125xi32, #tpu.memory_space<hbm>>
      %dma_wait3A_67 = arith.constant 0 : i32
      %dma_wait3A_68 = arith.constant 0 : i32
      %dma_wait3A_69 = tpu.memref_slice %dma_wait3A_66[%run_scoped3A_15, %dma_wait3A_67, %dma_wait3A_68] : memref<2x40x125xi32, #tpu.memory_space<hbm>> -> memref<1x40x125xi32, #tpu.memory_space<hbm>>
      %dma_wait3A_70 = tpu.memref_squeeze %dma_wait3A_69 : memref<1x40x125xi32, #tpu.memory_space<hbm>> -> memref<40x125xi32, #tpu.memory_space<hbm>>
      tpu.wait_dma2 semaphore(%run_scoped3A_35 : memref<!tpu.dma_semaphore, #tpu.memory_space<semaphore_mem>>) src(%dma_wait3A_70 : memref<40x125xi32, #tpu.memory_space<hbm>>) dst(%arg7 : memref<40x125xi32, #tpu.memory_space<vmem>>)
      tpu.yield
    }) : () -> ()
    %run_scoped3A_16 = arith.constant 1 : i32
    "tpu.region"() ({
      %run_scoped3A_35 = tpu.sem_alloc : memref<!tpu.dma_semaphore, #tpu.memory_space<semaphore_mem>>
      %dma_start3A_36 = arith.constant 0 : i32
      %dma_start3A_37 = arith.constant 0 : i32
      %dma_start3A_38 = arith.constant 0 : i32
      %dma_start3A_39 = tpu.memref_slice %arg4[%add3A, %dma_start3A_36, %dma_start3A_37, %dma_start3A_38] : memref<32x2x40x125xi32, #tpu.memory_space<hbm>> -> memref<1x2x40x125xi32, #tpu.memory_space<hbm>>
      %dma_start3A_40 = tpu.memref_squeeze %dma_start3A_39 : memref<1x2x40x125xi32, #tpu.memory_space<hbm>> -> memref<2x40x125xi32, #tpu.memory_space<hbm>>
      %dma_start3A_41 = arith.constant 0 : i32
      %dma_start3A_42 = arith.constant 0 : i32
      %dma_start3A_43 = tpu.memref_slice %dma_start3A_40[%run_scoped3A_16, %dma_start3A_41, %dma_start3A_42] : memref<2x40x125xi32, #tpu.memory_space<hbm>> -> memref<1x40x125xi32, #tpu.memory_space<hbm>>
      %dma_start3A_44 = tpu.memref_squeeze %dma_start3A_43 : memref<1x40x125xi32, #tpu.memory_space<hbm>> -> memref<40x125xi32, #tpu.memory_space<hbm>>
      %dma_start3A_45 = arith.constant 0 : i32
      %dma_start3A_46 = arith.constant 0 : i32
      %dma_start3A_47 = arith.constant 0 : i32
      %dma_start3A_48 = tpu.memref_slice %arg4[%add3A, %dma_start3A_45, %dma_start3A_46, %dma_start3A_47] : memref<32x2x40x125xi32, #tpu.memory_space<hbm>> -> memref<1x2x40x125xi32, #tpu.memory_space<hbm>>
      %dma_start3A_49 = tpu.memref_squeeze %dma_start3A_48 : memref<1x2x40x125xi32, #tpu.memory_space<hbm>> -> memref<2x40x125xi32, #tpu.memory_space<hbm>>
      %dma_start3A_50 = arith.constant 0 : i32
      %dma_start3A_51 = arith.constant 0 : i32
      %dma_start3A_52 = tpu.memref_slice %dma_start3A_49[%run_scoped3A_16, %dma_start3A_50, %dma_start3A_51] : memref<2x40x125xi32, #tpu.memory_space<hbm>> -> memref<1x40x125xi32, #tpu.memory_space<hbm>>
      %dma_start3A_53 = tpu.memref_squeeze %dma_start3A_52 : memref<1x40x125xi32, #tpu.memory_space<hbm>> -> memref<40x125xi32, #tpu.memory_space<hbm>>
      tpu.enqueue_dma source(%dma_start3A_53 : memref<40x125xi32, #tpu.memory_space<hbm>>) target(%arg8 : memref<40x125xi32, #tpu.memory_space<vmem>>) target_semaphore(%run_scoped3A_35 : memref<!tpu.dma_semaphore, #tpu.memory_space<semaphore_mem>>)
      %dma_wait3A = arith.constant 0 : i32
      %dma_wait3A_54 = arith.constant 0 : i32
      %dma_wait3A_55 = arith.constant 0 : i32
      %dma_wait3A_56 = tpu.memref_slice %arg4[%add3A, %dma_wait3A, %dma_wait3A_54, %dma_wait3A_55] : memref<32x2x40x125xi32, #tpu.memory_space<hbm>> -> memref<1x2x40x125xi32, #tpu.memory_space<hbm>>
      %dma_wait3A_57 = tpu.memref_squeeze %dma_wait3A_56 : memref<1x2x40x125xi32, #tpu.memory_space<hbm>> -> memref<2x40x125xi32, #tpu.memory_space<hbm>>
      %dma_wait3A_58 = arith.constant 0 : i32
      %dma_wait3A_59 = arith.constant 0 : i32
      %dma_wait3A_60 = tpu.memref_slice %dma_wait3A_57[%run_scoped3A_16, %dma_wait3A_58, %dma_wait3A_59] : memref<2x40x125xi32, #tpu.memory_space<hbm>> -> memref<1x40x125xi32, #tpu.memory_space<hbm>>
      %dma_wait3A_61 = tpu.memref_squeeze %dma_wait3A_60 : memref<1x40x125xi32, #tpu.memory_space<hbm>> -> memref<40x125xi32, #tpu.memory_space<hbm>>
      %dma_wait3A_62 = arith.constant 0 : i32
      %dma_wait3A_63 = arith.constant 0 : i32
      %dma_wait3A_64 = arith.constant 0 : i32
      %dma_wait3A_65 = tpu.memref_slice %arg4[%add3A, %dma_wait3A_62, %dma_wait3A_63, %dma_wait3A_64] : memref<32x2x40x125xi32, #tpu.memory_space<hbm>> -> memref<1x2x40x125xi32, #tpu.memory_space<hbm>>
      %dma_wait3A_66 = tpu.memref_squeeze %dma_wait3A_65 : memref<1x2x40x125xi32, #tpu.memory_space<hbm>> -> memref<2x40x125xi32, #tpu.memory_space<hbm>>
      %dma_wait3A_67 = arith.constant 0 : i32
      %dma_wait3A_68 = arith.constant 0 : i32
      %dma_wait3A_69 = tpu.memref_slice %dma_wait3A_66[%run_scoped3A_16, %dma_wait3A_67, %dma_wait3A_68] : memref<2x40x125xi32, #tpu.memory_space<hbm>> -> memref<1x40x125xi32, #tpu.memory_space<hbm>>
      %dma_wait3A_70 = tpu.memref_squeeze %dma_wait3A_69 : memref<1x40x125xi32, #tpu.memory_space<hbm>> -> memref<40x125xi32, #tpu.memory_space<hbm>>
      tpu.wait_dma2 semaphore(%run_scoped3A_35 : memref<!tpu.dma_semaphore, #tpu.memory_space<semaphore_mem>>) src(%dma_wait3A_70 : memref<40x125xi32, #tpu.memory_space<hbm>>) dst(%arg8 : memref<40x125xi32, #tpu.memory_space<vmem>>)
      tpu.yield
    }) : () -> ()
    %dma_start3A_17 = arith.constant 0 : i32
    %dma_start3A_18 = arith.constant 0 : i32
    %dma_start3A_19 = tpu.memref_slice %arg7[%dma_start3A_17, %dma_start3A_18] : memref<40x125xi32, #tpu.memory_space<vmem>> -> memref<1x125xi32, #tpu.memory_space<vmem>>
    %dma_start3A_20 = tpu.memref_squeeze %dma_start3A_19 : memref<1x125xi32, #tpu.memory_space<vmem>> -> memref<125xi32, #tpu.memory_space<vmem>>
    %dma_start3A_21 = arith.constant 0 : i32
    %dma_start3A_22 = arith.constant 0 : i32
    %dma_start3A_23 = tpu.memref_slice %arg2[%dma_start3A_21, %dma_start3A_22] : memref<10000x128xf32, #tpu.memory_space<hbm>> -> memref<10000x128xf32, #tpu.memory_space<hbm>>
    tpu.enqueue_indirect_dma source(%dma_start3A_23 : memref<10000x128xf32, #tpu.memory_space<hbm>>) target(%arg9 : memref<125x128xf32, #tpu.memory_space<vmem>>) offsets(%dma_start3A_20 : memref<125xi32, #tpu.memory_space<vmem>>) semaphore(%arg12 : memref<!tpu.dma_semaphore, #tpu.memory_space<semaphore_mem>>)
    %scan3A_24 = arith.constant 0 : i32
    %scan3A_25 = arith.constant 0 : i32
    %scan3A_26 = arith.constant 20 : i32
    %scan3A_27 = arith.addi %scan3A_25, %scan3A_26 : i32
    %scan3A_28 = arith.constant 1 : i32
    scf.for %scan3A_35 = %scan3A_25 to %scan3A_27 step %scan3A_28  : i32 {
      %mul3A_36 = arith.constant 2 : i32
      %mul3A_37 = arith.muli %mul3A_36, %scan3A_35 : i32
      %add3A_38 = arith.constant 1 : i32
      %add3A_39 = arith.addi %mul3A_37, %add3A_38 : i32
      %dma_start3A_40 = arith.constant 0 : i32
      %dma_start3A_41 = tpu.memref_slice %arg7[%add3A_39, %dma_start3A_40] : memref<40x125xi32, #tpu.memory_space<vmem>> -> memref<1x125xi32, #tpu.memory_space<vmem>>
      %dma_start3A_42 = tpu.memref_squeeze %dma_start3A_41 : memref<1x125xi32, #tpu.memory_space<vmem>> -> memref<125xi32, #tpu.memory_space<vmem>>
      %dma_start3A_43 = arith.constant 0 : i32
      %dma_start3A_44 = arith.constant 0 : i32
      %dma_start3A_45 = tpu.memref_slice %arg2[%dma_start3A_43, %dma_start3A_44] : memref<10000x128xf32, #tpu.memory_space<hbm>> -> memref<10000x128xf32, #tpu.memory_space<hbm>>
      tpu.enqueue_indirect_dma source(%dma_start3A_45 : memref<10000x128xf32, #tpu.memory_space<hbm>>) target(%arg10 : memref<125x128xf32, #tpu.memory_space<vmem>>) offsets(%dma_start3A_42 : memref<125xi32, #tpu.memory_space<vmem>>) semaphore(%arg13 : memref<!tpu.dma_semaphore, #tpu.memory_space<semaphore_mem>>)
      %dma_wait3A = arith.constant 0 : i32
      %dma_wait3A_46 = tpu.memref_slice %arg7[%mul3A_37, %dma_wait3A] : memref<40x125xi32, #tpu.memory_space<vmem>> -> memref<1x125xi32, #tpu.memory_space<vmem>>
      %dma_wait3A_47 = tpu.memref_squeeze %dma_wait3A_46 : memref<1x125xi32, #tpu.memory_space<vmem>> -> memref<125xi32, #tpu.memory_space<vmem>>
      %dma_wait3A_48 = arith.constant 0 : i32
      %dma_wait3A_49 = arith.constant 0 : i32
      %dma_wait3A_50 = tpu.memref_slice %arg2[%dma_wait3A_48, %dma_wait3A_49] : memref<10000x128xf32, #tpu.memory_space<hbm>> -> memref<10000x128xf32, #tpu.memory_space<hbm>>
      tpu.wait_indirect_dma semaphore(%arg12 : memref<!tpu.dma_semaphore, #tpu.memory_space<semaphore_mem>>) src(%dma_wait3A_50 : memref<10000x128xf32, #tpu.memory_space<hbm>>) dst(%arg9 : memref<125x128xf32, #tpu.memory_space<vmem>>)
      "tpu.region"() ({
        %run_scoped3A_63 = tpu.sem_alloc : memref<!tpu.dma_semaphore, #tpu.memory_space<semaphore_mem>>
        %dma_start3A_64 = arith.constant 0 : i32
        %dma_start3A_65 = tpu.memref_slice %arg8[%mul3A_37, %dma_start3A_64] : memref<40x125xi32, #tpu.memory_space<vmem>> -> memref<1x125xi32, #tpu.memory_space<vmem>>
        %dma_start3A_66 = tpu.memref_squeeze %dma_start3A_65 : memref<1x125xi32, #tpu.memory_space<vmem>> -> memref<125xi32, #tpu.memory_space<vmem>>
        %dma_start3A_67 = arith.constant 0 : i32
        %dma_start3A_68 = arith.constant 0 : i32
        %dma_start3A_69 = tpu.memref_slice %arg11[%dma_start3A_67, %dma_start3A_68] : memref<10240x128xf32, #tpu.memory_space<vmem_shared>> -> memref<10240x128xf32, #tpu.memory_space<vmem_shared>>
        tpu.enqueue_indirect_dma source(%arg9 : memref<125x128xf32, #tpu.memory_space<vmem>>) target(%dma_start3A_69 : memref<10240x128xf32, #tpu.memory_space<vmem_shared>>) offsets(%dma_start3A_66 : memref<125xi32, #tpu.memory_space<vmem>>) semaphore(%run_scoped3A_63 : memref<!tpu.dma_semaphore, #tpu.memory_space<semaphore_mem>>) {add = true}
        %dma_wait3A_70 = arith.constant 0 : i32
        %dma_wait3A_71 = tpu.memref_slice %arg8[%mul3A_37, %dma_wait3A_70] : memref<40x125xi32, #tpu.memory_space<vmem>> -> memref<1x125xi32, #tpu.memory_space<vmem>>
        %dma_wait3A_72 = tpu.memref_squeeze %dma_wait3A_71 : memref<1x125xi32, #tpu.memory_space<vmem>> -> memref<125xi32, #tpu.memory_space<vmem>>
        %dma_wait3A_73 = arith.constant 0 : i32
        %dma_wait3A_74 = arith.constant 0 : i32
        %dma_wait3A_75 = tpu.memref_slice %arg11[%dma_wait3A_73, %dma_wait3A_74] : memref<10240x128xf32, #tpu.memory_space<vmem_shared>> -> memref<10240x128xf32, #tpu.memory_space<vmem_shared>>
        tpu.wait_indirect_dma semaphore(%run_scoped3A_63 : memref<!tpu.dma_semaphore, #tpu.memory_space<semaphore_mem>>) src(%arg9 : memref<125x128xf32, #tpu.memory_space<vmem>>) dst(%dma_wait3A_75 : memref<10240x128xf32, #tpu.memory_space<vmem_shared>>)
        tpu.yield
      }) : () -> ()
      %lt3A = arith.constant 19 : i32
      %lt3A_51 = arith.cmpi slt, %scan3A_35, %lt3A : i32
      %convert_element_type3A = arith.extui %lt3A_51 : i1 to i32
      %cond3A = arith.constant 0 : i32
      %cond3A_52 = arith.cmpi ne, %convert_element_type3A, %cond3A : i32
      scf.if %cond3A_52 {
        %add3A_63 = arith.constant 2 : i32
        %add3A_64 = arith.addi %mul3A_37, %add3A_63 : i32
        %dma_start3A_65 = arith.constant 0 : i32
        %dma_start3A_66 = tpu.memref_slice %arg7[%add3A_64, %dma_start3A_65] : memref<40x125xi32, #tpu.memory_space<vmem>> -> memref<1x125xi32, #tpu.memory_space<vmem>>
        %dma_start3A_67 = tpu.memref_squeeze %dma_start3A_66 : memref<1x125xi32, #tpu.memory_space<vmem>> -> memref<125xi32, #tpu.memory_space<vmem>>
        %dma_start3A_68 = arith.constant 0 : i32
        %dma_start3A_69 = arith.constant 0 : i32
        %dma_start3A_70 = tpu.memref_slice %arg2[%dma_start3A_68, %dma_start3A_69] : memref<10000x128xf32, #tpu.memory_space<hbm>> -> memref<10000x128xf32, #tpu.memory_space<hbm>>
        tpu.enqueue_indirect_dma source(%dma_start3A_70 : memref<10000x128xf32, #tpu.memory_space<hbm>>) target(%arg9 : memref<125x128xf32, #tpu.memory_space<vmem>>) offsets(%dma_start3A_67 : memref<125xi32, #tpu.memory_space<vmem>>) semaphore(%arg12 : memref<!tpu.dma_semaphore, #tpu.memory_space<semaphore_mem>>)
      } else {
      }
      %add3A_53 = arith.constant 1 : i32
      %add3A_54 = arith.addi %mul3A_37, %add3A_53 : i32
      %dma_wait3A_55 = arith.constant 0 : i32
      %dma_wait3A_56 = tpu.memref_slice %arg7[%add3A_54, %dma_wait3A_55] : memref<40x125xi32, #tpu.memory_space<vmem>> -> memref<1x125xi32, #tpu.memory_space<vmem>>
      %dma_wait3A_57 = tpu.memref_squeeze %dma_wait3A_56 : memref<1x125xi32, #tpu.memory_space<vmem>> -> memref<125xi32, #tpu.memory_space<vmem>>
      %dma_wait3A_58 = arith.constant 0 : i32
      %dma_wait3A_59 = arith.constant 0 : i32
      %dma_wait3A_60 = tpu.memref_slice %arg2[%dma_wait3A_58, %dma_wait3A_59] : memref<10000x128xf32, #tpu.memory_space<hbm>> -> memref<10000x128xf32, #tpu.memory_space<hbm>>
      tpu.wait_indirect_dma semaphore(%arg13 : memref<!tpu.dma_semaphore, #tpu.memory_space<semaphore_mem>>) src(%dma_wait3A_60 : memref<10000x128xf32, #tpu.memory_space<hbm>>) dst(%arg10 : memref<125x128xf32, #tpu.memory_space<vmem>>)
      %add3A_61 = arith.constant 1 : i32
      %add3A_62 = arith.addi %mul3A_37, %add3A_61 : i32
      "tpu.region"() ({
        %run_scoped3A_63 = tpu.sem_alloc : memref<!tpu.dma_semaphore, #tpu.memory_space<semaphore_mem>>
        %dma_start3A_64 = arith.constant 0 : i32
        %dma_start3A_65 = tpu.memref_slice %arg8[%add3A_62, %dma_start3A_64] : memref<40x125xi32, #tpu.memory_space<vmem>> -> memref<1x125xi32, #tpu.memory_space<vmem>>
        %dma_start3A_66 = tpu.memref_squeeze %dma_start3A_65 : memref<1x125xi32, #tpu.memory_space<vmem>> -> memref<125xi32, #tpu.memory_space<vmem>>
        %dma_start3A_67 = arith.constant 0 : i32
        %dma_start3A_68 = arith.constant 0 : i32
        %dma_start3A_69 = tpu.memref_slice %arg11[%dma_start3A_67, %dma_start3A_68] : memref<10240x128xf32, #tpu.memory_space<vmem_shared>> -> memref<10240x128xf32, #tpu.memory_space<vmem_shared>>
        tpu.enqueue_indirect_dma source(%arg10 : memref<125x128xf32, #tpu.memory_space<vmem>>) target(%dma_start3A_69 : memref<10240x128xf32, #tpu.memory_space<vmem_shared>>) offsets(%dma_start3A_66 : memref<125xi32, #tpu.memory_space<vmem>>) semaphore(%run_scoped3A_63 : memref<!tpu.dma_semaphore, #tpu.memory_space<semaphore_mem>>) {add = true}
        %dma_wait3A_70 = arith.constant 0 : i32
        %dma_wait3A_71 = tpu.memref_slice %arg8[%add3A_62, %dma_wait3A_70] : memref<40x125xi32, #tpu.memory_space<vmem>> -> memref<1x125xi32, #tpu.memory_space<vmem>>
        %dma_wait3A_72 = tpu.memref_squeeze %dma_wait3A_71 : memref<1x125xi32, #tpu.memory_space<vmem>> -> memref<125xi32, #tpu.memory_space<vmem>>
        %dma_wait3A_73 = arith.constant 0 : i32
        %dma_wait3A_74 = arith.constant 0 : i32
        %dma_wait3A_75 = tpu.memref_slice %arg11[%dma_wait3A_73, %dma_wait3A_74] : memref<10240x128xf32, #tpu.memory_space<vmem_shared>> -> memref<10240x128xf32, #tpu.memory_space<vmem_shared>>
        tpu.wait_indirect_dma semaphore(%run_scoped3A_63 : memref<!tpu.dma_semaphore, #tpu.memory_space<semaphore_mem>>) src(%arg10 : memref<125x128xf32, #tpu.memory_space<vmem>>) dst(%dma_wait3A_75 : memref<10240x128xf32, #tpu.memory_space<vmem_shared>>)
        tpu.yield
      }) : () -> ()
    }
    %scan3A_29 = arith.constant 20 : i32
    %barrier3A_30 = arith.constant 0 : index
    tpu.barrier barrier_id(%barrier3A_30)
    %mul3A_31 = arith.constant 640 : i32
    %mul3A_32 = arith.muli %arg1, %mul3A_31 : i32
    %mul3A_33 = arith.constant 640 : i32
    %mul3A_34 = arith.muli %arg1, %mul3A_33 : i32
    "tpu.region"() ({
      %run_scoped3A_35 = tpu.sem_alloc : memref<!tpu.dma_semaphore, #tpu.memory_space<semaphore_mem>>
      %dma_start3A_36 = arith.constant 0 : i32
      %dma_start3A_37 = tpu.memref_slice %arg6[%arg0, %mul3A_34, %dma_start3A_36] : memref<2x10240x128xf32, #tpu.memory_space<hbm>> -> memref<1x640x128xf32, #tpu.memory_space<hbm>>
      %dma_start3A_38 = tpu.memref_squeeze %dma_start3A_37 : memref<1x640x128xf32, #tpu.memory_space<hbm>> -> memref<640x128xf32, #tpu.memory_space<hbm>>
      %dma_start3A_39 = arith.constant 0 : i32
      %dma_start3A_40 = tpu.memref_slice %arg11[%mul3A_32, %dma_start3A_39] : memref<10240x128xf32, #tpu.memory_space<vmem_shared>> -> memref<640x128xf32, #tpu.memory_space<vmem_shared>>
      tpu.enqueue_dma source(%dma_start3A_40 : memref<640x128xf32, #tpu.memory_space<vmem_shared>>) target(%dma_start3A_38 : memref<640x128xf32, #tpu.memory_space<hbm>>) target_semaphore(%run_scoped3A_35 : memref<!tpu.dma_semaphore, #tpu.memory_space<semaphore_mem>>)
      %dma_wait3A = arith.constant 0 : i32
      %dma_wait3A_41 = tpu.memref_slice %arg6[%arg0, %mul3A_34, %dma_wait3A] : memref<2x10240x128xf32, #tpu.memory_space<hbm>> -> memref<1x640x128xf32, #tpu.memory_space<hbm>>
      %dma_wait3A_42 = tpu.memref_squeeze %dma_wait3A_41 : memref<1x640x128xf32, #tpu.memory_space<hbm>> -> memref<640x128xf32, #tpu.memory_space<hbm>>
      %dma_wait3A_43 = arith.constant 0 : i32
      %dma_wait3A_44 = tpu.memref_slice %arg11[%mul3A_32, %dma_wait3A_43] : memref<10240x128xf32, #tpu.memory_space<vmem_shared>> -> memref<640x128xf32, #tpu.memory_space<vmem_shared>>
      tpu.wait_dma2 semaphore(%run_scoped3A_35 : memref<!tpu.dma_semaphore, #tpu.memory_space<semaphore_mem>>) src(%dma_wait3A_44 : memref<640x128xf32, #tpu.memory_space<vmem_shared>>) dst(%dma_wait3A_42 : memref<640x128xf32, #tpu.memory_space<hbm>>)
      tpu.yield
    }) : () -> ()
    return
  }
}

module attributes {stable_mosaic.version = 14 : i64} {
  func.func @_tc_first_body(%arg0: memref<2x10240x128xf32, #tpu.memory_space<vmem>>, %arg1: memref<10000x128xf32, #tpu.memory_space<vmem>>, %arg2: memref<128x128xf32, #tpu.memory_space<vmem>>, %arg3: memref<10000x128xf32, #tpu.memory_space<vmem>>, %arg4: memref<10000x1xf32, #tpu.memory_space<vmem>>) attributes {dimension_semantics = [], scalar_prefetch = 0 : i64, scratch_operands = 0 : i64, tpu.core_type = #tpu.core_type<tc>} {
    %get3A = arith.constant 0 : index
    %get3A_0 = arith.constant 0 : index
    %get3A_1 = arith.constant 0 : index
    %get3A_2 = vector.load %arg0[%get3A, %get3A_0, %get3A_1] : memref<2x10240x128xf32, #tpu.memory_space<vmem>>, vector<1x10000x1xf32>
    %get3A_3 = vector.shape_cast %get3A_2 : vector<1x10000x1xf32> to vector<10000x1xf32>
    %get3A_4 = arith.constant 1 : index
    %get3A_5 = arith.constant 0 : index
    %get3A_6 = arith.constant 0 : index
    %get3A_7 = vector.load %arg0[%get3A_4, %get3A_5, %get3A_6] : memref<2x10240x128xf32, #tpu.memory_space<vmem>>, vector<1x10000x1xf32>
    %get3A_8 = vector.shape_cast %get3A_7 : vector<1x10000x1xf32> to vector<10000x1xf32>
    %add3A = arith.addf %get3A_3, %get3A_8 : vector<10000x1xf32>
    %add3A_9 = arith.constant 1.000000e+00 : f32
    %add3A_10 = vector.broadcast %add3A_9 : f32 to vector<10000x1xf32>
    %add3A_11 = arith.addf %add3A_10, %add3A : vector<10000x1xf32>
    %rsqrt3A = math.rsqrt %add3A_11 : vector<10000x1xf32>
    %get3A_12 = arith.constant 0 : index
    %get3A_13 = arith.constant 0 : index
    %get3A_14 = vector.load %arg1[%get3A_12, %get3A_13] : memref<10000x128xf32, #tpu.memory_space<vmem>>, vector<10000x128xf32>
    %get3A_15 = arith.constant 0 : index
    %get3A_16 = arith.constant 0 : index
    %get3A_17 = vector.load %arg2[%get3A_15, %get3A_16] : memref<128x128xf32, #tpu.memory_space<vmem>>, vector<128x128xf32>
    %dot_general3A = arith.constant dense<0.000000e+00> : vector<10000x128xf32>
    %dot_general3A_18 = tpu.matmul %get3A_14, %get3A_17, %dot_general3A {dimension_numbers = #tpu.dot_dimension_numbers<[1], [0], [0], [1], [0, 0, 1, 1], [], []>, transpose_lhs_hint = false} : vector<10000x128xf32>, vector<128x128xf32>, vector<10000x128xf32> -> vector<10000x128xf32>
    %mul3A = vector.broadcast %rsqrt3A : vector<10000x1xf32> to vector<10000x128xf32>
    %mul3A_19 = arith.mulf %dot_general3A_18, %mul3A : vector<10000x128xf32>
    %swap3A = arith.constant 0 : index
    %swap3A_20 = arith.constant 0 : index
    %swap3A_21 = vector.load %arg3[%swap3A, %swap3A_20] : memref<10000x128xf32, #tpu.memory_space<vmem>>, vector<10000x128xf32>
    tpu.vector_store %arg3[%swap3A, %swap3A_20], %mul3A_19 {strides = array<i32>} : memref<10000x128xf32, #tpu.memory_space<vmem>>, vector<10000x128xf32>,
    %swap3A_22 = arith.constant 0 : index
    %swap3A_23 = arith.constant 0 : index
    %swap3A_24 = vector.load %arg4[%swap3A_22, %swap3A_23] : memref<10000x1xf32, #tpu.memory_space<vmem>>, vector<10000x1xf32>
    tpu.vector_store %arg4[%swap3A_22, %swap3A_23], %rsqrt3A {strides = array<i32>} : memref<10000x1xf32, #tpu.memory_space<vmem>>, vector<10000x1xf32>,
    return
  }
}

module attributes {stable_mosaic.version = 14 : i64} {
  func.func @_tc_mid_body(%arg0: memref<2x10240x128xf32, #tpu.memory_space<vmem>>, %arg1: memref<10000x128xf32, #tpu.memory_space<vmem>>, %arg2: memref<10000x1xf32, #tpu.memory_space<vmem>>, %arg3: memref<1x128xf32, #tpu.memory_space<vmem>>, %arg4: memref<128x128xf32, #tpu.memory_space<vmem>>, %arg5: memref<10000x128xf32, #tpu.memory_space<vmem>>) attributes {dimension_semantics = [], scalar_prefetch = 0 : i64, scratch_operands = 0 : i64, tpu.core_type = #tpu.core_type<tc>} {
    %get3A = arith.constant 0 : index
    %get3A_0 = arith.constant 0 : index
    %get3A_1 = vector.load %arg2[%get3A, %get3A_0] : memref<10000x1xf32, #tpu.memory_space<vmem>>, vector<10000x1xf32>
    %get3A_2 = arith.constant 0 : index
    %get3A_3 = arith.constant 0 : index
    %get3A_4 = arith.constant 0 : index
    %get3A_5 = vector.load %arg0[%get3A_2, %get3A_3, %get3A_4] : memref<2x10240x128xf32, #tpu.memory_space<vmem>>, vector<1x10000x128xf32>
    %get3A_6 = vector.shape_cast %get3A_5 : vector<1x10000x128xf32> to vector<10000x128xf32>
    %get3A_7 = arith.constant 1 : index
    %get3A_8 = arith.constant 0 : index
    %get3A_9 = arith.constant 0 : index
    %get3A_10 = vector.load %arg0[%get3A_7, %get3A_8, %get3A_9] : memref<2x10240x128xf32, #tpu.memory_space<vmem>>, vector<1x10000x128xf32>
    %get3A_11 = vector.shape_cast %get3A_10 : vector<1x10000x128xf32> to vector<10000x128xf32>
    %add3A = arith.addf %get3A_6, %get3A_11 : vector<10000x128xf32>
    %get3A_12 = arith.constant 0 : index
    %get3A_13 = arith.constant 0 : index
    %get3A_14 = vector.load %arg1[%get3A_12, %get3A_13] : memref<10000x128xf32, #tpu.memory_space<vmem>>, vector<10000x128xf32>
    %add3A_15 = arith.addf %add3A, %get3A_14 : vector<10000x128xf32>
    %mul3A = vector.broadcast %get3A_1 : vector<10000x1xf32> to vector<10000x128xf32>
    %mul3A_16 = arith.mulf %mul3A, %add3A_15 : vector<10000x128xf32>
    %get3A_17 = arith.constant 0 : index
    %get3A_18 = arith.constant 0 : index
    %get3A_19 = vector.load %arg3[%get3A_17, %get3A_18] : memref<1x128xf32, #tpu.memory_space<vmem>>, vector<1x128xf32>
    %add3A_20 = vector.broadcast %get3A_19 : vector<1x128xf32> to vector<10000x128xf32>
    %add3A_21 = arith.addf %mul3A_16, %add3A_20 : vector<10000x128xf32>
    %gt3A = arith.constant 0.000000e+00 : f32
    %gt3A_22 = vector.broadcast %gt3A : f32 to vector<10000x128xf32>
    %gt3A_23 = arith.cmpf ogt, %add3A_21, %gt3A_22 : vector<10000x128xf32>
    %exp3A = math.exp %add3A_21 : vector<10000x128xf32>
    %sub3A = arith.constant 1.000000e+00 : f32
    %sub3A_24 = vector.broadcast %sub3A : f32 to vector<10000x128xf32>
    %sub3A_25 = arith.subf %exp3A, %sub3A_24 : vector<10000x128xf32>
    %select_n3A = arith.select %gt3A_23, %add3A_21, %sub3A_25 : vector<10000x128xi1>, vector<10000x128xf32>
    %get3A_26 = arith.constant 0 : index
    %get3A_27 = arith.constant 0 : index
    %get3A_28 = vector.load %arg4[%get3A_26, %get3A_27] : memref<128x128xf32, #tpu.memory_space<vmem>>, vector<128x128xf32>
    %dot_general3A = arith.constant dense<0.000000e+00> : vector<10000x128xf32>
    %dot_general3A_29 = tpu.matmul %select_n3A, %get3A_28, %dot_general3A {dimension_numbers = #tpu.dot_dimension_numbers<[1], [0], [0], [1], [0, 0, 1, 1], [], []>, transpose_lhs_hint = false} : vector<10000x128xf32>, vector<128x128xf32>, vector<10000x128xf32> -> vector<10000x128xf32>
    %mul3A_30 = vector.broadcast %get3A_1 : vector<10000x1xf32> to vector<10000x128xf32>
    %mul3A_31 = arith.mulf %dot_general3A_29, %mul3A_30 : vector<10000x128xf32>
    %swap3A = arith.constant 0 : index
    %swap3A_32 = arith.constant 0 : index
    %swap3A_33 = vector.load %arg5[%swap3A, %swap3A_32] : memref<10000x128xf32, #tpu.memory_space<vmem>>, vector<10000x128xf32>
    tpu.vector_store %arg5[%swap3A, %swap3A_32], %mul3A_31 {strides = array<i32>} : memref<10000x128xf32, #tpu.memory_space<vmem>>, vector<10000x128xf32>,
    return
  }
}

module attributes {stable_mosaic.version = 14 : i64} {
  func.func @_tc_last_body(%arg0: memref<2x10240x128xf32, #tpu.memory_space<vmem>>, %arg1: memref<10000x128xf32, #tpu.memory_space<vmem>>, %arg2: memref<10000x1xf32, #tpu.memory_space<vmem>>, %arg3: memref<1x128xf32, #tpu.memory_space<vmem>>, %arg4: memref<10000x128xf32, #tpu.memory_space<vmem>>) attributes {dimension_semantics = [], scalar_prefetch = 0 : i64, scratch_operands = 0 : i64, tpu.core_type = #tpu.core_type<tc>} {
    %get3A = arith.constant 0 : index
    %get3A_0 = arith.constant 0 : index
    %get3A_1 = vector.load %arg2[%get3A, %get3A_0] : memref<10000x1xf32, #tpu.memory_space<vmem>>, vector<10000x1xf32>
    %get3A_2 = arith.constant 0 : index
    %get3A_3 = arith.constant 0 : index
    %get3A_4 = arith.constant 0 : index
    %get3A_5 = vector.load %arg0[%get3A_2, %get3A_3, %get3A_4] : memref<2x10240x128xf32, #tpu.memory_space<vmem>>, vector<1x10000x128xf32>
    %get3A_6 = vector.shape_cast %get3A_5 : vector<1x10000x128xf32> to vector<10000x128xf32>
    %get3A_7 = arith.constant 1 : index
    %get3A_8 = arith.constant 0 : index
    %get3A_9 = arith.constant 0 : index
    %get3A_10 = vector.load %arg0[%get3A_7, %get3A_8, %get3A_9] : memref<2x10240x128xf32, #tpu.memory_space<vmem>>, vector<1x10000x128xf32>
    %get3A_11 = vector.shape_cast %get3A_10 : vector<1x10000x128xf32> to vector<10000x128xf32>
    %add3A = arith.addf %get3A_6, %get3A_11 : vector<10000x128xf32>
    %get3A_12 = arith.constant 0 : index
    %get3A_13 = arith.constant 0 : index
    %get3A_14 = vector.load %arg1[%get3A_12, %get3A_13] : memref<10000x128xf32, #tpu.memory_space<vmem>>, vector<10000x128xf32>
    %add3A_15 = arith.addf %add3A, %get3A_14 : vector<10000x128xf32>
    %mul3A = vector.broadcast %get3A_1 : vector<10000x1xf32> to vector<10000x128xf32>
    %mul3A_16 = arith.mulf %mul3A, %add3A_15 : vector<10000x128xf32>
    %get3A_17 = arith.constant 0 : index
    %get3A_18 = arith.constant 0 : index
    %get3A_19 = vector.load %arg3[%get3A_17, %get3A_18] : memref<1x128xf32, #tpu.memory_space<vmem>>, vector<1x128xf32>
    %add3A_20 = vector.broadcast %get3A_19 : vector<1x128xf32> to vector<10000x128xf32>
    %add3A_21 = arith.addf %mul3A_16, %add3A_20 : vector<10000x128xf32>
    %gt3A = arith.constant 0.000000e+00 : f32
    %gt3A_22 = vector.broadcast %gt3A : f32 to vector<10000x128xf32>
    %gt3A_23 = arith.cmpf ogt, %add3A_21, %gt3A_22 : vector<10000x128xf32>
    %exp3A = math.exp %add3A_21 : vector<10000x128xf32>
    %sub3A = arith.constant 1.000000e+00 : f32
    %sub3A_24 = vector.broadcast %sub3A : f32 to vector<10000x128xf32>
    %sub3A_25 = arith.subf %exp3A, %sub3A_24 : vector<10000x128xf32>
    %select_n3A = arith.select %gt3A_23, %add3A_21, %sub3A_25 : vector<10000x128xi1>, vector<10000x128xf32>
    %swap3A = arith.constant 0 : index
    %swap3A_26 = arith.constant 0 : index
    %swap3A_27 = vector.load %arg4[%swap3A, %swap3A_26] : memref<10000x128xf32, #tpu.memory_space<vmem>>, vector<10000x128xf32>
    tpu.vector_store %arg4[%swap3A, %swap3A_26], %select_n3A {strides = array<i32>} : memref<10000x128xf32, #tpu.memory_space<vmem>>, vector<10000x128xf32>,
    return
  }
}

</mosaic_0001>

<sc_bundles>
// kernel: kernel.11.cloned.1.call-start
scs
__scs_entry_jumppad:
0x0: {  	(pc) =	sbr.rel $0x88, $3  }
0x1: {  	(tag) =	ssettag $0x0;
	lr =	simm.s32 $0x1  }
0x2: {  	[smem:$0x3F9B] =	sst lr;
	_ =	strace $0xD0000000  }
0x3: {  	_ = 	snop  }
0x4: {  	_ = 	snop  }
0x5: {  	_ = 	snop  }
0x6: {  	_ = 	snop  }
0x7: {  	_ = 	snop  }
__scs_overlays_trampoline_lowered:
0x8: {  	[smem:$0x3FAA] =	sst s0  }
0x9: {  	[smem:$0x3FAB] =	sst s1  }
0xa: {  	[smem:$0x3FAC] =	sst s2  }
0xb: {  	[smem:$0x3FAD] =	sst s3  }
0xc: {  	[smem:$0x3FAE] =	sst s4  }
0xd: {  	[smem:$0x3FAF] =	sst s5  }
0xe: {  	[smem:$0x3FB0] =	sst s6  }
0xf: {  	[smem:$0x3FB1] =	sst s7  }
0x10: {  	[smem:$0x3FB2] =	sst s8  }
0x11: {  	[smem:$0x3FB3] =	sst s9;
	s0 =	simm.s32 @!p0 $0x0  }
0x12: {  	s1 =	sld [smem:$0x3F99];
	s0 =	simm.s32 @p0 $0x1  }
0x13: {  	[smem:$0x3FB4] =	sst s0;
	s0 =	simm.s32 @!p1 $0x0  }
0x14: {  	s2 =	sld [smem:$0x3F98];
	s0 =	simm.s32 @p1 $0x1  }
0x15: {  	[smem:$0x3FB5] =	sst s0;
	s0 =	simm.s32 @!p2 $0x0  }
0x16: {  	s3 =	sld [smem:$0x3FDB];
	s0 =	simm.s32 @p2 $0x1  }
0x17: {  	s4 =	simm.s32 $0x1BF5;
	[smem:$0x3FB7] =	sst s0  }
0x18: {  	s0 =	sld [smem:$0x3F9A];
	_ =	swait.ge [sflag:s4], $0x0  }
0x19: {  	s7 =	sld [smem:$0x3F9B]  }
0x1a: {  	s8 =	sadd.s32 $0xFFFFE003, lr  }
0x1b: {  	s9 =	sadd.s32 $0xFFFFFEF7, lr;
	s5 =	simm.s32 $0xFFFFFFFF;
	p2 =	slt.u32 s8, $0xFFFFF086  }
0x1c: {  	p1 =	slt.u32 s9, $0xF7A;
	s5 =	simm.s32 @!p2 $0x0  }
0x1d: {  	s5 =	simm.s32 @p1 $0x1;
	p0 =	seq.s32 s7, s2  }
0x1e: {  	s7 =	smul.u32 @!p0 $0xF7A, s2;
	p2 =	seq.s32 @!p0 s5, $0x0  }
0x1f: {  	s9 =	smul.u32 $0xF7A, s1;
	s8 =	simm.s32 @!p0 $0x1BF5;
	p2 =	por !p2, p0  }
0x20: {  	[sflag:s8] =	ssyncset.s32 @!p0 $0xFFFFF086;
	s6 =	sadd.s32 @!p0 s3, s7;
	s7 =	simm.s32 @!p0 $0x108  }
0x21: {  	s3 =	sadd.s32 s3, s9;
	s6 =	sadd.s32 @!p0 $0x88, s6;
	s7 =	simm.s32 @p2 $0x1082  }
0x22: {  	[simem:s7], [sflag:s8] =	dma.local @!p0 [hbm:s6], $0xF7A  }
0x23: {  	s9 =	sor.u32 $0xD0000000, s2;
	s6 =	simm.s32 $0x108;
	_ =	swait.ge @!p0 [sflag:s8], $0x0  }
0x24: {  	s3 =	sadd.s32 $0x88, s3;
	s6 =	simm.s32 @!p1 $0x1082;
	[sflag:s4] =	ssyncset.s32 $0xFFFFF086  }
0x25: {  	[simem:s6], [sflag:s4] =	dma.local [hbm:s3], $0xF7A  }
0x26: {  	[smem:$0x3F9B] =	sst s1;
	(tag) =	ssettag s2;
	_ =	strace s9  }
0x27: {  	s1 =	sld [smem:$0x3FAB]  }
0x28: {  	s2 =	sld [smem:$0x3FAC]  }
0x29: {  	s4 =	sld [smem:$0x3FAE]  }
0x2a: {  	p0 =	seq.s32 s5, $0x0;
	s5 =	sld [smem:$0x3FAF]  }
0x2b: {  	s6 =	sld [smem:$0x3FB0]  }
0x2c: {  	s7 =	sld [smem:$0x3FB1]  }
0x2d: {  	s3 =	simm.s32 $0x108;
	s8 =	sld [smem:$0x3FB2]  }
0x2e: {  	s3 =	simm.s32 @!p0 $0x1082;
	s9 =	sld [smem:$0x3FB3]  }
0x2f: {  	lr =	sadd.s32 s0, s3;
	s0 =	sld [smem:$0x3FAA]  }
0x30: {  	s3 =	sld [smem:$0x3FAD]  }
0x31: {  	[smem:$0x3FB6] =	sst s10  }
0x32: {  	s10 =	sld [smem:$0x3FB4];
	_ =	sdelay $0x3  }
0x33: {  	p0 =	seq.s32 s10, $0x1;
	s10 =	sld [smem:$0x3FB6];
	_ =	sdelay $0x3  }
0x34: {  	[smem:$0x3FB6] =	sst s10  }
0x35: {  	s10 =	sld [smem:$0x3FB5];
	_ =	sdelay $0x3  }
0x36: {  	p1 =	seq.s32 s10, $0x1;
	s10 =	sld [smem:$0x3FB6];
	_ =	sdelay $0x3  }
0x37: {  	[smem:$0x3FB6] =	sst s10  }
0x38: {  	s10 =	sld [smem:$0x3FB7]  }
0x39: {  	_ = 	snop;
	(pc) =	sbr.ind lr, $3  }
0x3a: {  	_ = 	snop  }
0x3b: {  	_ = 	snop  }
0x3c: {  	p2 =	seq.s32 s10, $0x1;
	s10 =	sld [smem:$0x3FB6]  }
0x3d: {  	_ =	shalt  }
0x3e: {  	_ =	shalt  }
0x3f: {  	_ =	shalt  }
0x40: {  	_ =	shalt  }
0x41: {  	_ =	shalt  }
0x42: {  	_ =	shalt  }
0x43: {  	_ =	shalt  }
0x44: {  	_ =	shalt  }
0x45: {  	_ =	shalt  }
0x46: {  	_ =	shalt  }
0x47: {  	_ =	shalt  }
0x48: {  	_ =	shalt  }
0x49: {  	_ =	shalt  }
0x4a: {  	_ =	shalt  }
0x4b: {  	_ =	shalt  }
0x4c: {  	_ =	shalt  }
0x4d: {  	_ =	shalt  }
0x4e: {  	_ =	shalt  }
0x4f: {  	_ =	shalt  }
0x50: {  	_ =	shalt  }
0x51: {  	_ =	shalt  }
0x52: {  	_ =	shalt  }
0x53: {  	_ =	shalt  }
0x54: {  	_ =	shalt  }
0x55: {  	_ =	shalt  }
0x56: {  	_ =	shalt  }
0x57: {  	_ =	shalt  }
0x58: {  	_ =	shalt  }
0x59: {  	_ =	shalt  }
0x5a: {  	_ =	shalt  }
0x5b: {  	_ =	shalt  }
0x5c: {  	_ =	shalt  }
0x5d: {  	_ =	shalt  }
0x5e: {  	_ =	shalt  }
0x5f: {  	_ =	shalt  }
0x60: {  	_ =	shalt  }
0x61: {  	_ =	shalt  }
0x62: {  	_ =	shalt  }
0x63: {  	_ =	shalt  }
0x64: {  	_ =	shalt  }
0x65: {  	_ =	shalt  }
0x66: {  	_ =	shalt  }
0x67: {  	_ =	shalt  }
0x68: {  	_ =	shalt  }
0x69: {  	_ =	shalt  }
0x6a: {  	_ =	shalt  }
0x6b: {  	_ =	shalt  }
0x6c: {  	_ =	shalt  }
0x6d: {  	_ =	shalt  }
0x6e: {  	_ =	shalt  }
0x6f: {  	_ =	shalt  }
0x70: {  	_ =	shalt  }
0x71: {  	_ =	shalt  }
0x72: {  	_ =	shalt  }
0x73: {  	_ =	shalt  }
0x74: {  	_ =	shalt  }
0x75: {  	_ =	shalt  }
0x76: {  	_ =	shalt  }
0x77: {  	_ =	shalt  }
0x78: {  	_ =	shalt  }
0x79: {  	_ =	shalt  }
0x7a: {  	_ =	shalt  }
0x7b: {  	_ =	shalt  }
0x7c: {  	_ =	shalt  }
0x7d: {  	_ =	shalt  }
0x7e: {  	_ =	shalt  }
0x7f: {  	_ =	shalt  }
0x80: {  	_ =	shalt  }
0x81: {  	_ =	shalt  }
0x82: {  	_ =	shalt  }
0x83: {  	_ =	shalt  }
0x84: {  	_ =	shalt  }
0x85: {  	_ =	shalt  }
0x86: {  	_ =	shalt  }
0x87: {  	_ =	shalt  }
.Lfunc_end0:
.L_simem_size_0:
called_computation.1_lowered:
.L_overlay_start_0:
0x88: {  	s2 =	sld [smem:$0x3FD9]  }
0x89: {  	s3 =	sld [smem:$0x3FFE];
	_ =	sdelay $0x1  }
0x8a: {  	s1 =	srdreg.scid  }
0x8b: {  	s0 =	sand.u32 $0x1, s1  }
0x8c: {  	s17 =	sshll.u32 s0, $0xA;
	s2 =	sadd.s32 s3, s2  }
0x8d: {  	s2 =	sadd.s32 s2, s17  }
0x8e: {  	[smem:$0x3FC2] =	sst s2  }
0x8f: {  	_ = 	snop  }
0x90: {  	s2 =	sld [smem:$0x3FD0];
	(tm) =	ssettm $0x1  }
0x91: {  	s18 =	sld [smem:$0x3FFB];
	_ =	sdelay $0x3  }
0x92: {  	_ =	strace s18  }
0x93: {  	s3 =	sld [smem:$0x3FFC];
	_ =	sdelay $0x3  }
0x94: {  	_ =	strace s3  }
0x95: {  	s3 =	sld [smem:$0x3FFD];
	_ =	sdelay $0x3  }
0x96: {  	_ =	strace s3  }
0x97: {  	_ =	strace $0x8FFFFFFF  }
0x98: {  	s19 =	sld [smem:$0x3FDB];
	_ =	sdelay $0x1  }
0x99: {  	s4 =	simm.s32 $_scs_section_size  }
0x9a: {  	s5 =	simm.s32 $_size__tile_overlayer_lowered;
	s6 =	simm.s32 $_tile_overlayer_lowered  }
0x9b: {  	s22 =	simm.s32 $0x1BFF;
	s21 =	sshll.u32 s6, $0x1;
	s3 =	sadd.s32 s4, s19  }
0x9c: {  	s7 =	simm.s32 $0x0;
	s20 =	sshll.u32 s5, $0x1;
	s5 =	sadd.s32 s21, s3  }
0x9d: {  	[timem:s7], [sflag:s22] =	dma.local [hbm:s5], s20  }
0x9e: {  	_ =	swait.ge [sflag:s22], s20  }
0x9f: {  	s4 =	ssub.s32 $0x0, s20;
	[sflag:s22] =	ssyncset.done $0x0  }
0xa0: {  	[sflag:s22] =	ssyncadd.s32 s4;
	_ =	sdelay $0x1  }
0xa1: {  	s23 =	simm.s32 $0x1B8B  }
0xa2: {  	_ =	swait.ge [sflag:s23], $0x1  }
0xa3: {  	[sflag:s23] =	ssyncset.done $0x0  }
0xa4: {  	s25 =	simm.s32 $0x1B8E;
	s24 =	sld [smem:$0x3FFE];
	[sflag:s23] =	ssyncadd.s32 $0xFFFFFFFF  }
0xa5: {  	s26 =	simm.s32 $execute0_lowered;
	[smem:$0x3FD2] =	sst s25  }
0xa6: {  	s5 =	sshll.u32 s26, $0x1;
	_ =	strace $0x80000049;
	[dreg:$0x1] =	wrdreg $0xFFFFFFFF  }
0xa7: {  	s28 =	simm.s32 $_size_execute0_lowered;
	s3 =	sadd.s32 s3, s5;
	[dreg:$0x0] =	wrdreg $0x0  }
0xa8: {  	s5 =	sshll.u32 s28, $0x1;
	[dreg:$0x2] =	wrdreg s3  }
0xa9: {  	[dreg:$0x3] =	wrdreg s5  }
0xaa: {  	[dreg:$0x4] =	wrdreg $0xC0  }
0xab: {  	_ =	task [dreg:s7], $0x5FFFF  }
0xac: {  	[dreg:$0x1] =	wrdreg $0xFFFFFFFF  }
0xad: {  	[dreg:$0x0] =	wrdreg $0x60  }
0xae: {  	[dreg:$0x2] =	wrdreg s2  }
0xaf: {  	[dreg:$0x3] =	wrdreg s24  }
0xb0: {  	[dreg:$0x4] =	wrdreg $0xA8000  }
0xb1: {  	[dreg:$0x5] =	wrdreg $0x9  }
0xb2: {  	_ =	task.clear_ibuf [dreg:s7], $0x6FFFF;
	_ =	strace $0x90000049  }
0xb3: {  	s29 =	simm.s32 $0x9;
	_ =	strace $0x8000004B  }
0xb4: {  	_ =	swait.ge [sflag:s29], $0x1  }
0xb5: {  	[sflag:s29] =	ssyncadd.s32 $0xFFFFFFFF  }
0xb6: {  	_ =	strace $0x9000004B  }
0xb7: {  	_ =	sfence  }
0xb8: {  	s30 =	sld [smem:$0x0];
	_ =	sdelay $0x2  }
0xb9: {  	s31 =	sshll.u32 s1, $0xD;
	s1 =	sshrl.u32 s1, $0x2  }
0xba: {  	s3 =	sand.u32 $0x4000, s31;
	s1 =	sadd.s32 s1, s30  }
0xbb: {  	s0 =	sor.u32 s3, s0;
	s1 =	sshll.u32 s1, $0x11  }
0xbc: {  	s0 =	sor.u32 s1, s0  }
0xbd: {  	s0 =	sadd.s32 $0x8F2B, s0  }
0xbe: {  	[sflag:s0] =	ssyncadd.remote.s32 $0x1  }
0xbf: {  	_ =	sfence.sel $0xFFFF  }
0xc0: {  	[dreg:$0x0] =	wrdreg $0xFFFFFFFF;
	(pc) =	sbr.abs _section_cstart, $3  }
0xc1: {  	[dreg:$0x1] =	wrdreg $0xFFFFFFFF  }
0xc2: {  	_ =	task.clear_ibuf [dreg:s7], $0x2FFFF;
	_ =	strace $0x9FFFFFFF  }
0xc3: {  	(tm) =	ssettm $0x7FFFFFFF  }
tec
execute0_lowered:
.L_overlay_start_1:
0x0: {  	(tag) =	ssettag $0x1  }
0x1: {  	s1 =	rddreg [dreg:$0x0]  }
0x2: {  	s6 =	rddreg [dreg:$0x1]  }
0x3: {  	s3 =	rddreg [dreg:$0x2];
	s2 =	srdreg.scid  }
0x4: {  	s0 =	rddreg [dreg:$0x3];
	s4 =	simm.s32 $0x0;
	s14 =	simm.s32 $0x7D  }
0x5: {  	s15 =	simm.s32 $0x2800;
	s16 =	simm.s32 $0x6800;
	s17 =	simm.s32 $0x1  }
0x6: {  	s18 =	simm.s32 $0x2;
	s19 =	simm.s32 $0x1380;
	s20 =	simm.s32 $0x2700  }
0x7: {  	s21 =	simm.s32 $0x2780;
	s7 =	sand.u32 $0x1, s2;
	s2 =	stileid.u32  }
0x8: {  	s24 =	simm.s32 $0x0;
	[smem:$0x7FF] =	sst s4;
	s8 =	smul.u32 $0x140000, s7  }
0x9: {  	s5 =	sshll.u32 s7, $0x4;
	s9 =	smul.u32 $0x14000, s2;
	_ =	strace $0x8000004A  }
0xa: {  	s10 =	smul.u32 $0x50000, s2;
	s29 =	ssub.s32 $0x2, s7;
	s5 =	sor.u32 s2, s5  }
0xb: {  	s31 =	sshll.u32 s2, $0x6;
	s7 =	sshrl.u32 s29, $0x1;
	s5 =	smul.u32 $0x500, s5  }
0xc: {  	s8 =	sadd.s32 s9, s8;
	s30 =	sshrl.u32 s10, $0x2;
	s12 =	ssub.s32 s29, s7  }
0xd: {  	s8 =	sshrl.u32 s8, $0x3;
	s13 =	sadd.s32 s30, s3;
	s10 =	smax.u32 s12, $0x1  }
0xe: {  	s12 =	simm.s32 $0x3;
	s28 =	sadd.s32 s5, s6;
	s5 =	sadd.s32 $0x2E00, s6  }
0xf: {  	s11 =	sadd.s32 s8, s6;
	s6 =	sor.u32 $0x1C03, s31;
	s7 =	sadd.s32 $0x5F600, s28  }
0x10: {  	s8 =	sadd.s32 $0x55600, s28;
	s9 =	sadd.s32 $0x5600, s11;
	s11 =	sshrl.u32 s13, $0x3  }
0x11: {  	s13 =	simm.s32 $0x1400;
	s22 =	sadd.s32 $0x280, s7;
	s23 =	sadd.s32 $0x280, s8  }
.LBB2_1:
0x12: {  	[spmem:s11], [sflag:s6] =	dma.local [hbm:s5], $0x2800  }
0x13: {  	_ =	swait.ge [sflag:s12], $0x2800  }
0x14: {  	[sflag:s12] =	ssyncset.done $0x0  }
0x15: {  	[sflag:s12] =	ssyncadd.s32 $0xFFFFD800  }
0x16: {  	[bflag:$0x0] =	sbarrier.arrive $0xFFFF  }
0x17: {  	[tilespmem:s4], [sflag:$0x3] =	stream.linear.gather [hbm4b:s7+s4], $0x1400, $0x38;
	[tilespmem:$0x1E800] =	vst v63  }
0x18: {  	_ =	swait.ge [sflag:s12], $0x1400  }
0x19: {  	[sflag:s12] =	ssyncset.done $0x0  }
0x1a: {  	[sflag:s12] =	ssyncadd.s32 $0xFFFFEC00  }
0x1b: {  	[tilespmem:s13], [sflag:$0x3] =	stream.linear.gather [hbm4b:s8+s4], $0x1400, $0x38;
	[tilespmem:$0x1E800] =	vst v63  }
0x1c: {  	_ =	swait.ge [sflag:s12], $0x1400  }
0x1d: {  	[sflag:s12] =	ssyncset.done $0x0  }
0x1e: {  	[sflag:s12] =	ssyncadd.s32 $0xFFFFEC00  }
0x1f: {  	[tilespmem:s15], [sflag:$0x1] =	stream.indirect.gather [hbm4b:s1+s14], $0x80, s4, s14, $0xb8;
	[tilespmem:$0x1E800] =	vst v63  }
0x20: {  	s25 =	simm.s32 $0x80  }
0x21: {  	[tilespmem:s16], [sflag:$0x2] =	stream.indirect.gather [hbm4b:s1+s14], $0x80, s25, s14, $0xb8;
	[tilespmem:$0x1E800] =	vst v63  }
0x22: {  	_ =	swait.ge [sflag:s17], $0x3E80  }
0x23: {  	[sflag:s17] =	ssyncset.done $0x0  }
0x24: {  	s29 =	simm.s32 $0x1400;
	[sflag:s17] =	ssyncadd.s32 $0xFFFFC180  }
0x25: {  	[spmem:s3] =	stream.indirect.scatter.add.f32 [tilespmem:s15], [sflag:$0x3], $0x80, s29, s14, $0xb8;
	[tilespmem:$0x1E800] =	vst v63  }
0x26: {  	_ =	swait.ge [sflag:s12], $0x3E80  }
0x27: {  	[sflag:s12] =	ssyncset.done $0x0  }
0x28: {  	s30 =	simm.s32 $0x100;
	[sflag:s12] =	ssyncadd.s32 $0xFFFFC180  }
0x29: {  	[tilespmem:s15], [sflag:$0x1] =	stream.indirect.gather [hbm4b:s1+s14], $0x80, s30, s14, $0xb8;
	[tilespmem:$0x1E800] =	vst v63  }
0x2a: {  	_ =	swait.ge [sflag:s18], $0x3E80  }
0x2b: {  	[sflag:s18] =	ssyncset.done $0x0  }
0x2c: {  	s31 =	simm.s32 $0x1480;
	[sflag:s18] =	ssyncadd.s32 $0xFFFFC180  }
0x2d: {  	[spmem:s3] =	stream.indirect.scatter.add.f32 [tilespmem:s16], [sflag:$0x3], $0x80, s31, s14, $0xb8;
	[tilespmem:$0x1E800] =	vst v63  }
0x2e: {  	_ =	swait.ge [sflag:s12], $0x3E80  }
0x2f: {  	s26 =	simm.s32 $0x800;
	s25 =	simm.s32 $0x100;
	[sflag:s12] =	ssyncset.done $0x0  }
.LBB2_2:
0x30: {  	s28 =	sadd.s32 $0x80, s25  }
0x31: {  	[sflag:s12] =	ssyncadd.s32 $0xFFFFC180;
	s29 =	smov.u32 s26;
	s30 =	sadd.s32 $0x400, s26  }
0x32: {  	[tilespmem:s16], [sflag:$0x2] =	stream.indirect.gather [hbm4b:s1+s14], $0x80, s28, s14, $0xb8;
	[tilespmem:$0x1E800] =	vst v63  }
0x33: {  	p0 =	sne.s32 s26, $0x4800;
	_ =	swait.ge [sflag:s17], $0x3E80  }
0x34: {  	[sflag:s17] =	ssyncset.done $0x0  }
0x35: {  	s26 =	sadd.s32 $0x1400, s25;
	[sflag:s17] =	ssyncadd.s32 $0xFFFFC180  }
0x36: {  	[spmem:s3] =	stream.indirect.scatter.add.f32 [tilespmem:s15], [sflag:$0x3], $0x80, s26, s14, $0xb8;
	[tilespmem:$0x1E800] =	vst v63  }
0x37: {  	_ =	swait.ge [sflag:s12], $0x3E80  }
0x38: {  	[sflag:s12] =	ssyncset.done $0x0  }
0x39: {  	s26 =	sadd.s32 $0x100, s25;
	[sflag:s12] =	ssyncadd.s32 $0xFFFFC180  }
0x3a: {  	[tilespmem:s15], [sflag:$0x1] =	stream.indirect.gather [hbm4b:s1+s14], $0x80, s26, s14, $0xb8;
	[tilespmem:$0x1E800] =	vst v63  }
0x3b: {  	_ =	swait.ge [sflag:s18], $0x3E80  }
.Ltmp0:
0x3c: {  	[sflag:s18] =	ssyncset.done $0x0;
	(pc) =	sbr.rel @p0 .LBB2_2-.Ltmp0, $4  }
0x3d: {  	s25 =	sadd.s32 $0x1480, s25;
	[sflag:s18] =	ssyncadd.s32 $0xFFFFC180  }
0x3e: {  	[spmem:s3] =	stream.indirect.scatter.add.f32 [tilespmem:s16], [sflag:$0x3], $0x80, s25, s14, $0xb8;
	[tilespmem:$0x1E800] =	vst v63  }
0x3f: {  	_ =	swait.ge [sflag:s12], $0x3E80  }
0x40: {  	s26 =	smov.u32 s30;
	s25 =	sshra.s32 s29, $0x2;
	[sflag:s12] =	ssyncset.done $0x0  }
0x41: {  	s26 =	sadd.s32 $0x80, s25;
	[sflag:s12] =	ssyncadd.s32 $0xFFFFC180  }
0x42: {  	[tilespmem:s16], [sflag:$0x2] =	stream.indirect.gather [hbm4b:s1+s14], $0x80, s26, s14, $0xb8;
	[tilespmem:$0x1E800] =	vst v63  }
0x43: {  	_ =	swait.ge [sflag:s17], $0x3E80  }
0x44: {  	[sflag:s17] =	ssyncset.done $0x0  }
0x45: {  	s29 =	sadd.s32 $0x1400, s25;
	[sflag:s17] =	ssyncadd.s32 $0xFFFFC180  }
0x46: {  	[spmem:s3] =	stream.indirect.scatter.add.f32 [tilespmem:s15], [sflag:$0x3], $0x80, s29, s14, $0xb8;
	[tilespmem:$0x1E800] =	vst v63  }
0x47: {  	_ =	swait.ge [sflag:s12], $0x3E80  }
0x48: {  	[sflag:s12] =	ssyncset.done $0x0  }
0x49: {  	s30 =	sadd.s32 $0x100, s25;
	[sflag:s12] =	ssyncadd.s32 $0xFFFFC180  }
0x4a: {  	[tilespmem:s15], [sflag:$0x1] =	stream.indirect.gather [hbm4b:s1+s14], $0x80, s30, s14, $0xb8;
	[tilespmem:$0x1E800] =	vst v63  }
0x4b: {  	_ =	swait.ge [sflag:s18], $0x3E80  }
0x4c: {  	[sflag:s18] =	ssyncset.done $0x0  }
0x4d: {  	s31 =	sadd.s32 $0x1480, s25;
	[sflag:s18] =	ssyncadd.s32 $0xFFFFC180  }
0x4e: {  	[spmem:s3] =	stream.indirect.scatter.add.f32 [tilespmem:s16], [sflag:$0x3], $0x80, s31, s14, $0xb8;
	[tilespmem:$0x1E800] =	vst v63  }
0x4f: {  	_ =	swait.ge [sflag:s12], $0x3E80  }
0x50: {  	[sflag:s12] =	ssyncset.done $0x0  }
0x51: {  	[sflag:s12] =	ssyncadd.s32 $0xFFFFC180  }
0x52: {  	[tilespmem:s16], [sflag:$0x2] =	stream.indirect.gather [hbm4b:s1+s14], $0x80, s19, s14, $0xb8;
	[tilespmem:$0x1E800] =	vst v63  }
0x53: {  	_ =	swait.ge [sflag:s17], $0x3E80  }
0x54: {  	[sflag:s17] =	ssyncset.done $0x0  }
0x55: {  	[sflag:s17] =	ssyncadd.s32 $0xFFFFC180  }
0x56: {  	[spmem:s3] =	stream.indirect.scatter.add.f32 [tilespmem:s15], [sflag:$0x3], $0x80, s20, s14, $0xb8;
	[tilespmem:$0x1E800] =	vst v63  }
0x57: {  	_ =	swait.ge [sflag:s12], $0x3E80  }
0x58: {  	[sflag:s12] =	ssyncset.done $0x0  }
0x59: {  	[sflag:s12] =	ssyncadd.s32 $0xFFFFC180  }
0x5a: {  	_ =	swait.ge [sflag:s18], $0x3E80  }
0x5b: {  	[sflag:s18] =	ssyncset.done $0x0  }
0x5c: {  	[sflag:s18] =	ssyncadd.s32 $0xFFFFC180  }
0x5d: {  	[spmem:s3] =	stream.indirect.scatter.add.f32 [tilespmem:s16], [sflag:$0x3], $0x80, s21, s14, $0xb8;
	[tilespmem:$0x1E800] =	vst v63  }
0x5e: {  	_ =	swait.ge [sflag:s12], $0x3E80  }
0x5f: {  	[sflag:s12] =	ssyncset.done $0x0  }
0x60: {  	s26 =	simm.s32 $0x0;
	[sflag:s12] =	ssyncadd.s32 $0xFFFFC180  }
0x61: {  	[tilespmem:s26], [sflag:$0x3] =	stream.linear.gather [hbm4b:s22+s26], $0x1400, $0x38;
	[tilespmem:$0x1E800] =	vst v63  }
0x62: {  	_ =	swait.ge [sflag:s12], $0x1400  }
0x63: {  	[sflag:s12] =	ssyncset.done $0x0  }
0x64: {  	[sflag:s12] =	ssyncadd.s32 $0xFFFFEC00  }
0x65: {  	[tilespmem:s13], [sflag:$0x3] =	stream.linear.gather [hbm4b:s23+s26], $0x1400, $0x38;
	[tilespmem:$0x1E800] =	vst v63  }
0x66: {  	_ =	swait.ge [sflag:s12], $0x1400  }
0x67: {  	[sflag:s12] =	ssyncset.done $0x0  }
0x68: {  	[sflag:s12] =	ssyncadd.s32 $0xFFFFEC00  }
0x69: {  	[tilespmem:s15], [sflag:$0x1] =	stream.indirect.gather [hbm4b:s1+s14], $0x80, s26, s14, $0xb8;
	[tilespmem:$0x1E800] =	vst v63  }
0x6a: {  	s28 =	simm.s32 $0x80  }
0x6b: {  	[tilespmem:s16], [sflag:$0x2] =	stream.indirect.gather [hbm4b:s1+s14], $0x80, s28, s14, $0xb8;
	[tilespmem:$0x1E800] =	vst v63  }
0x6c: {  	_ =	swait.ge [sflag:s17], $0x3E80  }
0x6d: {  	[sflag:s17] =	ssyncset.done $0x0  }
0x6e: {  	s29 =	simm.s32 $0x1400;
	[sflag:s17] =	ssyncadd.s32 $0xFFFFC180  }
0x6f: {  	[spmem:s3] =	stream.indirect.scatter.add.f32 [tilespmem:s15], [sflag:$0x3], $0x80, s29, s14, $0xb8;
	[tilespmem:$0x1E800] =	vst v63  }
0x70: {  	_ =	swait.ge [sflag:s12], $0x3E80  }
0x71: {  	[sflag:s12] =	ssyncset.done $0x0  }
0x72: {  	s30 =	simm.s32 $0x100;
	[sflag:s12] =	ssyncadd.s32 $0xFFFFC180  }
0x73: {  	[tilespmem:s15], [sflag:$0x1] =	stream.indirect.gather [hbm4b:s1+s14], $0x80, s30, s14, $0xb8;
	[tilespmem:$0x1E800] =	vst v63  }
0x74: {  	_ =	swait.ge [sflag:s18], $0x3E80  }
0x75: {  	[sflag:s18] =	ssyncset.done $0x0  }
0x76: {  	s31 =	simm.s32 $0x1480;
	[sflag:s18] =	ssyncadd.s32 $0xFFFFC180  }
0x77: {  	[spmem:s3] =	stream.indirect.scatter.add.f32 [tilespmem:s16], [sflag:$0x3], $0x80, s31, s14, $0xb8;
	[tilespmem:$0x1E800] =	vst v63  }
0x78: {  	_ =	swait.ge [sflag:s12], $0x3E80  }
0x79: {  	s25 =	simm.s32 $0x100;
	s26 =	simm.s32 $0x800;
	[sflag:s12] =	ssyncset.done $0x0  }
.LBB2_4:
0x7a: {  	s28 =	sadd.s32 $0x80, s25  }
0x7b: {  	[sflag:s12] =	ssyncadd.s32 $0xFFFFC180;
	s29 =	smov.u32 s26;
	s30 =	sadd.s32 $0x400, s26  }
0x7c: {  	[tilespmem:s16], [sflag:$0x2] =	stream.indirect.gather [hbm4b:s1+s14], $0x80, s28, s14, $0xb8;
	[tilespmem:$0x1E800] =	vst v63  }
0x7d: {  	p0 =	sne.s32 s26, $0x4800;
	_ =	swait.ge [sflag:s17], $0x3E80  }
0x7e: {  	[sflag:s17] =	ssyncset.done $0x0  }
0x7f: {  	s26 =	sadd.s32 $0x1400, s25;
	[sflag:s17] =	ssyncadd.s32 $0xFFFFC180  }
0x80: {  	[spmem:s3] =	stream.indirect.scatter.add.f32 [tilespmem:s15], [sflag:$0x3], $0x80, s26, s14, $0xb8;
	[tilespmem:$0x1E800] =	vst v63  }
0x81: {  	_ =	swait.ge [sflag:s12], $0x3E80  }
0x82: {  	[sflag:s12] =	ssyncset.done $0x0  }
0x83: {  	s26 =	sadd.s32 $0x100, s25;
	[sflag:s12] =	ssyncadd.s32 $0xFFFFC180  }
0x84: {  	[tilespmem:s15], [sflag:$0x1] =	stream.indirect.gather [hbm4b:s1+s14], $0x80, s26, s14, $0xb8;
	[tilespmem:$0x1E800] =	vst v63  }
0x85: {  	_ =	swait.ge [sflag:s18], $0x3E80  }
.Ltmp1:
0x86: {  	[sflag:s18] =	ssyncset.done $0x0;
	(pc) =	sbr.rel @p0 .LBB2_4-.Ltmp1, $4  }
0x87: {  	s25 =	sadd.s32 $0x1480, s25;
	[sflag:s18] =	ssyncadd.s32 $0xFFFFC180  }
0x88: {  	[spmem:s3] =	stream.indirect.scatter.add.f32 [tilespmem:s16], [sflag:$0x3], $0x80, s25, s14, $0xb8;
	[tilespmem:$0x1E800] =	vst v63  }
0x89: {  	_ =	swait.ge [sflag:s12], $0x3E80  }
0x8a: {  	s26 =	smov.u32 s30;
	s25 =	sshra.s32 s29, $0x2;
	[sflag:s12] =	ssyncset.done $0x0  }
0x8b: {  	s26 =	sadd.s32 $0x80, s25;
	[sflag:s12] =	ssyncadd.s32 $0xFFFFC180  }
0x8c: {  	[tilespmem:s16], [sflag:$0x2] =	stream.indirect.gather [hbm4b:s1+s14], $0x80, s26, s14, $0xb8;
	[tilespmem:$0x1E800] =	vst v63  }
0x8d: {  	_ =	swait.ge [sflag:s17], $0x3E80  }
0x8e: {  	[sflag:s17] =	ssyncset.done $0x0  }
0x8f: {  	s29 =	sadd.s32 $0x1400, s25;
	[sflag:s17] =	ssyncadd.s32 $0xFFFFC180  }
0x90: {  	[spmem:s3] =	stream.indirect.scatter.add.f32 [tilespmem:s15], [sflag:$0x3], $0x80, s29, s14, $0xb8;
	[tilespmem:$0x1E800] =	vst v63  }
0x91: {  	_ =	swait.ge [sflag:s12], $0x3E80  }
0x92: {  	[sflag:s12] =	ssyncset.done $0x0  }
0x93: {  	s30 =	sadd.s32 $0x100, s25;
	[sflag:s12] =	ssyncadd.s32 $0xFFFFC180  }
0x94: {  	[tilespmem:s15], [sflag:$0x1] =	stream.indirect.gather [hbm4b:s1+s14], $0x80, s30, s14, $0xb8;
	[tilespmem:$0x1E800] =	vst v63  }
0x95: {  	_ =	swait.ge [sflag:s18], $0x3E80  }
0x96: {  	[sflag:s18] =	ssyncset.done $0x0  }
0x97: {  	s31 =	sadd.s32 $0x1480, s25;
	[sflag:s18] =	ssyncadd.s32 $0xFFFFC180  }
0x98: {  	[spmem:s3] =	stream.indirect.scatter.add.f32 [tilespmem:s16], [sflag:$0x3], $0x80, s31, s14, $0xb8;
	[tilespmem:$0x1E800] =	vst v63  }
0x99: {  	_ =	swait.ge [sflag:s12], $0x3E80  }
0x9a: {  	[sflag:s12] =	ssyncset.done $0x0  }
0x9b: {  	[sflag:s12] =	ssyncadd.s32 $0xFFFFC180  }
0x9c: {  	[tilespmem:s16], [sflag:$0x2] =	stream.indirect.gather [hbm4b:s1+s14], $0x80, s19, s14, $0xb8;
	[tilespmem:$0x1E800] =	vst v63  }
0x9d: {  	_ =	swait.ge [sflag:s17], $0x3E80  }
0x9e: {  	[sflag:s17] =	ssyncset.done $0x0  }
0x9f: {  	[sflag:s17] =	ssyncadd.s32 $0xFFFFC180  }
0xa0: {  	[spmem:s3] =	stream.indirect.scatter.add.f32 [tilespmem:s15], [sflag:$0x3], $0x80, s20, s14, $0xb8;
	[tilespmem:$0x1E800] =	vst v63  }
0xa1: {  	_ =	swait.ge [sflag:s12], $0x3E80  }
0xa2: {  	[sflag:s12] =	ssyncset.done $0x0  }
0xa3: {  	[sflag:s12] =	ssyncadd.s32 $0xFFFFC180  }
0xa4: {  	_ =	swait.ge [sflag:s18], $0x3E80  }
0xa5: {  	[sflag:s18] =	ssyncset.done $0x0  }
0xa6: {  	[sflag:s18] =	ssyncadd.s32 $0xFFFFC180  }
0xa7: {  	[spmem:s3] =	stream.indirect.scatter.add.f32 [tilespmem:s16], [sflag:$0x3], $0x80, s21, s14, $0xb8;
	[tilespmem:$0x1E800] =	vst v63  }
0xa8: {  	_ =	swait.ge [sflag:s12], $0x3E80  }
0xa9: {  	s24 =	sadd.s32 $0x1, s24;
	[sflag:s12] =	ssyncset.done $0x0  }
0xaa: {  	p0 =	sne.s32 s24, s10;
	[sflag:s12] =	ssyncadd.s32 $0xFFFFC180  }
.Ltmp2:
0xab: {  	[bflag:$0x0] =	sbarrier.arrive $0xFFFF;
	(pc) =	sbr.rel @p0 .LBB2_1-.Ltmp2, $4  }
0xac: {  	[hbm:s9], [sflag:s6] =	dma.local [spmem:s11], $0x2800  }
0xad: {  	_ =	swait.ge [sflag:s12], $0x2800  }
0xae: {  	[sflag:s12] =	ssyncset.done $0x0  }
0xaf: {  	[sflag:s12] =	ssyncadd.s32 $0xFFFFD800  }
0xb0: {  	_ =	sfence.sel $0x180000  }
0xb1: {  	[bflag:$0x0] =	sbarrier.arrive $0xFFFF  }
0xb2: {  	p0 =	sne.s32 s2, $0x0;
	_ =	strace $0x9000004A  }
0xb3: {  	s0 =	sadd.s32 @!p0 $0x100000, s0;
	[bflag:$0x2] =	sbarrier.arrive $0xFFFF  }
0xb4: {  	[sflag:s0] =	ssyncadd.tile.s32 @!p0 $0x1;
	_ =	shalt  }
.Lfunc_end2:
_tile_overlayer_lowered:
.L_overlay_start_2:
0xb5: {  	(tag) =	ssettag $0x2  }
0xb6: {  	s0 =	rddreg [dreg:$0x0];
	s2 =	stileid.u32  }
0xb7: {  	s1 =	rddreg [dreg:$0x1];
	p0 =	sne.s32 s2, $0x0  }
0xb8: {  	s3 =	rddreg [dreg:$0x2];
	[bflag:$0x3] =	sbarrier.arrive $0xFFFF;
	s2 =	simm.s32 @!p0 $0x1C03  }
0xb9: {  	[timem:s3], [sflag:s2] =	dma.local @!p0 [hbm:s0], s1  }
0xba: {  	s0 =	simm.s32 @!p0 $0x3  }
0xbb: {  	_ =	swait.ge @!p0 [sflag:s0], s1  }
0xbc: {  	s1 =	ssub.s32 @!p0 $0x0, s1;
	[sflag:s0] =	ssyncset.done @!p0 $0x0  }
0xbd: {  	[sflag:s0] =	ssyncadd.s32 @!p0 s1  }
0xbe: {  	[bflag:$0x3] =	sbarrier.arrive $0xFFFF  }
0xbf: {  	_ =	shalt  }

// kernel: kernel.14.cloned.1.call-start
scs
__scs_entry_jumppad:
0x0: {  	(pc) =	sbr.rel $0x88, $3  }
0x1: {  	(tag) =	ssettag $0x0;
	lr =	simm.s32 $0x1  }
0x2: {  	[smem:$0x3F9B] =	sst lr;
	_ =	strace $0xD0000000  }
0x3: {  	_ = 	snop  }
0x4: {  	_ = 	snop  }
0x5: {  	_ = 	snop  }
0x6: {  	_ = 	snop  }
0x7: {  	_ = 	snop  }
__scs_overlays_trampoline_lowered:
0x8: {  	[smem:$0x3FAA] =	sst s0  }
0x9: {  	[smem:$0x3FAB] =	sst s1  }
0xa: {  	[smem:$0x3FAC] =	sst s2  }
0xb: {  	[smem:$0x3FAD] =	sst s3  }
0xc: {  	[smem:$0x3FAE] =	sst s4  }
0xd: {  	[smem:$0x3FAF] =	sst s5  }
0xe: {  	[smem:$0x3FB0] =	sst s6  }
0xf: {  	[smem:$0x3FB1] =	sst s7  }
0x10: {  	[smem:$0x3FB2] =	sst s8  }
0x11: {  	[smem:$0x3FB3] =	sst s9;
	s0 =	simm.s32 @!p0 $0x0  }
0x12: {  	s1 =	sld [smem:$0x3F99];
	s0 =	simm.s32 @p0 $0x1  }
0x13: {  	[smem:$0x3FB4] =	sst s0;
	s0 =	simm.s32 @!p1 $0x0  }
0x14: {  	s2 =	sld [smem:$0x3F98];
	s0 =	simm.s32 @p1 $0x1  }
0x15: {  	[smem:$0x3FB5] =	sst s0;
	s0 =	simm.s32 @!p2 $0x0  }
0x16: {  	s3 =	sld [smem:$0x3FDB];
	s0 =	simm.s32 @p2 $0x1  }
0x17: {  	s4 =	simm.s32 $0x1BF5;
	[smem:$0x3FB7] =	sst s0  }
0x18: {  	s0 =	sld [smem:$0x3F9A];
	_ =	swait.ge [sflag:s4], $0x0  }
0x19: {  	s7 =	sld [smem:$0x3F9B]  }
0x1a: {  	s8 =	sadd.s32 $0xFFFFE003, lr  }
0x1b: {  	s9 =	sadd.s32 $0xFFFFFEF7, lr;
	s5 =	simm.s32 $0xFFFFFFFF;
	p2 =	slt.u32 s8, $0xFFFFF086  }
0x1c: {  	p1 =	slt.u32 s9, $0xF7A;
	s5 =	simm.s32 @!p2 $0x0  }
0x1d: {  	s5 =	simm.s32 @p1 $0x1;
	p0 =	seq.s32 s7, s2  }
0x1e: {  	s7 =	smul.u32 @!p0 $0xF7A, s2;
	p2 =	seq.s32 @!p0 s5, $0x0  }
0x1f: {  	s9 =	smul.u32 $0xF7A, s1;
	s8 =	simm.s32 @!p0 $0x1BF5;
	p2 =	por !p2, p0  }
0x20: {  	[sflag:s8] =	ssyncset.s32 @!p0 $0xFFFFF086;
	s6 =	sadd.s32 @!p0 s3, s7;
	s7 =	simm.s32 @!p0 $0x108  }
0x21: {  	s3 =	sadd.s32 s3, s9;
	s6 =	sadd.s32 @!p0 $0x88, s6;
	s7 =	simm.s32 @p2 $0x1082  }
0x22: {  	[simem:s7], [sflag:s8] =	dma.local @!p0 [hbm:s6], $0xF7A  }
0x23: {  	s9 =	sor.u32 $0xD0000000, s2;
	s6 =	simm.s32 $0x108;
	_ =	swait.ge @!p0 [sflag:s8], $0x0  }
0x24: {  	s3 =	sadd.s32 $0x88, s3;
	s6 =	simm.s32 @!p1 $0x1082;
	[sflag:s4] =	ssyncset.s32 $0xFFFFF086  }
0x25: {  	[simem:s6], [sflag:s4] =	dma.local [hbm:s3], $0xF7A  }
0x26: {  	[smem:$0x3F9B] =	sst s1;
	(tag) =	ssettag s2;
	_ =	strace s9  }
0x27: {  	s1 =	sld [smem:$0x3FAB]  }
0x28: {  	s2 =	sld [smem:$0x3FAC]  }
0x29: {  	s4 =	sld [smem:$0x3FAE]  }
0x2a: {  	p0 =	seq.s32 s5, $0x0;
	s5 =	sld [smem:$0x3FAF]  }
0x2b: {  	s6 =	sld [smem:$0x3FB0]  }
0x2c: {  	s7 =	sld [smem:$0x3FB1]  }
0x2d: {  	s3 =	simm.s32 $0x108;
	s8 =	sld [smem:$0x3FB2]  }
0x2e: {  	s3 =	simm.s32 @!p0 $0x1082;
	s9 =	sld [smem:$0x3FB3]  }
0x2f: {  	lr =	sadd.s32 s0, s3;
	s0 =	sld [smem:$0x3FAA]  }
0x30: {  	s3 =	sld [smem:$0x3FAD]  }
0x31: {  	[smem:$0x3FB6] =	sst s10  }
0x32: {  	s10 =	sld [smem:$0x3FB4];
	_ =	sdelay $0x3  }
0x33: {  	p0 =	seq.s32 s10, $0x1;
	s10 =	sld [smem:$0x3FB6];
	_ =	sdelay $0x3  }
0x34: {  	[smem:$0x3FB6] =	sst s10  }
0x35: {  	s10 =	sld [smem:$0x3FB5];
	_ =	sdelay $0x3  }
0x36: {  	p1 =	seq.s32 s10, $0x1;
	s10 =	sld [smem:$0x3FB6];
	_ =	sdelay $0x3  }
0x37: {  	[smem:$0x3FB6] =	sst s10  }
0x38: {  	s10 =	sld [smem:$0x3FB7]  }
0x39: {  	_ = 	snop;
	(pc) =	sbr.ind lr, $3  }
0x3a: {  	_ = 	snop  }
0x3b: {  	_ = 	snop  }
0x3c: {  	p2 =	seq.s32 s10, $0x1;
	s10 =	sld [smem:$0x3FB6]  }
0x3d: {  	_ =	shalt  }
0x3e: {  	_ =	shalt  }
0x3f: {  	_ =	shalt  }
0x40: {  	_ =	shalt  }
0x41: {  	_ =	shalt  }
0x42: {  	_ =	shalt  }
0x43: {  	_ =	shalt  }
0x44: {  	_ =	shalt  }
0x45: {  	_ =	shalt  }
0x46: {  	_ =	shalt  }
0x47: {  	_ =	shalt  }
0x48: {  	_ =	shalt  }
0x49: {  	_ =	shalt  }
0x4a: {  	_ =	shalt  }
0x4b: {  	_ =	shalt  }
0x4c: {  	_ =	shalt  }
0x4d: {  	_ =	shalt  }
0x4e: {  	_ =	shalt  }
0x4f: {  	_ =	shalt  }
0x50: {  	_ =	shalt  }
0x51: {  	_ =	shalt  }
0x52: {  	_ =	shalt  }
0x53: {  	_ =	shalt  }
0x54: {  	_ =	shalt  }
0x55: {  	_ =	shalt  }
0x56: {  	_ =	shalt  }
0x57: {  	_ =	shalt  }
0x58: {  	_ =	shalt  }
0x59: {  	_ =	shalt  }
0x5a: {  	_ =	shalt  }
0x5b: {  	_ =	shalt  }
0x5c: {  	_ =	shalt  }
0x5d: {  	_ =	shalt  }
0x5e: {  	_ =	shalt  }
0x5f: {  	_ =	shalt  }
0x60: {  	_ =	shalt  }
0x61: {  	_ =	shalt  }
0x62: {  	_ =	shalt  }
0x63: {  	_ =	shalt  }
0x64: {  	_ =	shalt  }
0x65: {  	_ =	shalt  }
0x66: {  	_ =	shalt  }
0x67: {  	_ =	shalt  }
0x68: {  	_ =	shalt  }
0x69: {  	_ =	shalt  }
0x6a: {  	_ =	shalt  }
0x6b: {  	_ =	shalt  }
0x6c: {  	_ =	shalt  }
0x6d: {  	_ =	shalt  }
0x6e: {  	_ =	shalt  }
0x6f: {  	_ =	shalt  }
0x70: {  	_ =	shalt  }
0x71: {  	_ =	shalt  }
0x72: {  	_ =	shalt  }
0x73: {  	_ =	shalt  }
0x74: {  	_ =	shalt  }
0x75: {  	_ =	shalt  }
0x76: {  	_ =	shalt  }
0x77: {  	_ =	shalt  }
0x78: {  	_ =	shalt  }
0x79: {  	_ =	shalt  }
0x7a: {  	_ =	shalt  }
0x7b: {  	_ =	shalt  }
0x7c: {  	_ =	shalt  }
0x7d: {  	_ =	shalt  }
0x7e: {  	_ =	shalt  }
0x7f: {  	_ =	shalt  }
0x80: {  	_ =	shalt  }
0x81: {  	_ =	shalt  }
0x82: {  	_ =	shalt  }
0x83: {  	_ =	shalt  }
0x84: {  	_ =	shalt  }
0x85: {  	_ =	shalt  }
0x86: {  	_ =	shalt  }
0x87: {  	_ =	shalt  }
.Lfunc_end0:
.L_simem_size_0:
called_computation.2_lowered:
.L_overlay_start_0:
0x88: {  	s2 =	sld [smem:$0x3FD9]  }
0x89: {  	s3 =	sld [smem:$0x3FFE];
	_ =	sdelay $0x1  }
0x8a: {  	s1 =	srdreg.scid  }
0x8b: {  	s0 =	sand.u32 $0x1, s1  }
0x8c: {  	s17 =	sshll.u32 s0, $0xA;
	s2 =	sadd.s32 s3, s2  }
0x8d: {  	s2 =	sadd.s32 s2, s17  }
0x8e: {  	[smem:$0x3FC2] =	sst s2  }
0x8f: {  	_ = 	snop  }
0x90: {  	s2 =	sld [smem:$0x3FD0];
	(tm) =	ssettm $0x1  }
0x91: {  	s18 =	sld [smem:$0x3FFB];
	_ =	sdelay $0x3  }
0x92: {  	_ =	strace s18  }
0x93: {  	s3 =	sld [smem:$0x3FFC];
	_ =	sdelay $0x3  }
0x94: {  	_ =	strace s3  }
0x95: {  	s3 =	sld [smem:$0x3FFD];
	_ =	sdelay $0x3  }
0x96: {  	_ =	strace s3  }
0x97: {  	_ =	strace $0x8FFFFFFF  }
0x98: {  	s19 =	sld [smem:$0x3FDB];
	_ =	sdelay $0x1  }
0x99: {  	s4 =	simm.s32 $_scs_section_size  }
0x9a: {  	s5 =	simm.s32 $_size__tile_overlayer_lowered;
	s6 =	simm.s32 $_tile_overlayer_lowered  }
0x9b: {  	s22 =	simm.s32 $0x1BFF;
	s21 =	sshll.u32 s6, $0x1;
	s3 =	sadd.s32 s4, s19  }
0x9c: {  	s7 =	simm.s32 $0x0;
	s20 =	sshll.u32 s5, $0x1;
	s5 =	sadd.s32 s21, s3  }
0x9d: {  	[timem:s7], [sflag:s22] =	dma.local [hbm:s5], s20  }
0x9e: {  	_ =	swait.ge [sflag:s22], s20  }
0x9f: {  	s4 =	ssub.s32 $0x0, s20;
	[sflag:s22] =	ssyncset.done $0x0  }
0xa0: {  	[sflag:s22] =	ssyncadd.s32 s4;
	_ =	sdelay $0x1  }
0xa1: {  	s23 =	simm.s32 $0x1B8B  }
0xa2: {  	_ =	swait.ge [sflag:s23], $0x1  }
0xa3: {  	[sflag:s23] =	ssyncset.done $0x0  }
0xa4: {  	s25 =	simm.s32 $0x1B8E;
	s24 =	sld [smem:$0x3FFE];
	[sflag:s23] =	ssyncadd.s32 $0xFFFFFFFF  }
0xa5: {  	s26 =	simm.s32 $execute0_lowered;
	[smem:$0x3FD2] =	sst s25  }
0xa6: {  	s5 =	sshll.u32 s26, $0x1;
	_ =	strace $0x8000004C;
	[dreg:$0x1] =	wrdreg $0xFFFFFFFF  }
0xa7: {  	s28 =	simm.s32 $_size_execute0_lowered;
	s3 =	sadd.s32 s3, s5;
	[dreg:$0x0] =	wrdreg $0x0  }
0xa8: {  	s5 =	sshll.u32 s28, $0x1;
	[dreg:$0x2] =	wrdreg s3  }
0xa9: {  	[dreg:$0x3] =	wrdreg s5  }
0xaa: {  	[dreg:$0x4] =	wrdreg $0xC0  }
0xab: {  	_ =	task [dreg:s7], $0x5FFFF  }
0xac: {  	[dreg:$0x1] =	wrdreg $0xFFFFFFFF  }
0xad: {  	[dreg:$0x0] =	wrdreg $0x60  }
0xae: {  	[dreg:$0x2] =	wrdreg s2  }
0xaf: {  	[dreg:$0x3] =	wrdreg s24  }
0xb0: {  	[dreg:$0x4] =	wrdreg $0xA8000  }
0xb1: {  	[dreg:$0x5] =	wrdreg $0x9  }
0xb2: {  	_ =	task.clear_ibuf [dreg:s7], $0x6FFFF;
	_ =	strace $0x9000004C  }
0xb3: {  	s29 =	simm.s32 $0x9;
	_ =	strace $0x8000004E  }
0xb4: {  	_ =	swait.ge [sflag:s29], $0x1  }
0xb5: {  	[sflag:s29] =	ssyncadd.s32 $0xFFFFFFFF  }
0xb6: {  	_ =	strace $0x9000004E  }
0xb7: {  	_ =	sfence  }
0xb8: {  	s30 =	sld [smem:$0x0];
	_ =	sdelay $0x2  }
0xb9: {  	s31 =	sshll.u32 s1, $0xD;
	s1 =	sshrl.u32 s1, $0x2  }
0xba: {  	s3 =	sand.u32 $0x4000, s31;
	s1 =	sadd.s32 s1, s30  }
0xbb: {  	s0 =	sor.u32 s3, s0;
	s1 =	sshll.u32 s1, $0x11  }
0xbc: {  	s0 =	sor.u32 s1, s0  }
0xbd: {  	s0 =	sadd.s32 $0x8F2B, s0  }
0xbe: {  	[sflag:s0] =	ssyncadd.remote.s32 $0x1  }
0xbf: {  	_ =	sfence.sel $0xFFFF  }
0xc0: {  	[dreg:$0x0] =	wrdreg $0xFFFFFFFF;
	(pc) =	sbr.abs _section_cstart, $3  }
0xc1: {  	[dreg:$0x1] =	wrdreg $0xFFFFFFFF  }
0xc2: {  	_ =	task.clear_ibuf [dreg:s7], $0x2FFFF;
	_ =	strace $0x9FFFFFFF  }
0xc3: {  	(tm) =	ssettm $0x7FFFFFFF  }
tec
execute0_lowered:
.L_overlay_start_1:
0x0: {  	(tag) =	ssettag $0x1  }
0x1: {  	s1 =	rddreg [dreg:$0x0]  }
0x2: {  	s6 =	rddreg [dreg:$0x1]  }
0x3: {  	s3 =	rddreg [dreg:$0x2];
	s2 =	srdreg.scid  }
0x4: {  	s0 =	rddreg [dreg:$0x3];
	s4 =	simm.s32 $0x0;
	s14 =	simm.s32 $0x7D  }
0x5: {  	s15 =	simm.s32 $0x2800;
	s16 =	simm.s32 $0x6800;
	s17 =	simm.s32 $0x1  }
0x6: {  	s18 =	simm.s32 $0x2;
	s19 =	simm.s32 $0x1380;
	s20 =	simm.s32 $0x2700  }
0x7: {  	s21 =	simm.s32 $0x2780;
	s7 =	sand.u32 $0x1, s2;
	s2 =	stileid.u32  }
0x8: {  	s24 =	simm.s32 $0x0;
	[smem:$0x7FF] =	sst s4;
	s8 =	smul.u32 $0x140000, s7  }
0x9: {  	s5 =	sshll.u32 s7, $0x4;
	s9 =	smul.u32 $0x14000, s2;
	_ =	strace $0x8000004D  }
0xa: {  	s10 =	smul.u32 $0x50000, s2;
	s29 =	ssub.s32 $0x2, s7;
	s5 =	sor.u32 s2, s5  }
0xb: {  	s31 =	sshll.u32 s2, $0x6;
	s7 =	sshrl.u32 s29, $0x1;
	s5 =	smul.u32 $0x500, s5  }
0xc: {  	s8 =	sadd.s32 s9, s8;
	s30 =	sshrl.u32 s10, $0x2;
	s12 =	ssub.s32 s29, s7  }
0xd: {  	s8 =	sshrl.u32 s8, $0x3;
	s13 =	sadd.s32 s30, s3;
	s10 =	smax.u32 s12, $0x1  }
0xe: {  	s12 =	simm.s32 $0x3;
	s28 =	sadd.s32 s5, s6;
	s5 =	sadd.s32 $0x2E00, s6  }
0xf: {  	s11 =	sadd.s32 s8, s6;
	s6 =	sor.u32 $0x1C03, s31;
	s7 =	sadd.s32 $0x5F600, s28  }
0x10: {  	s8 =	sadd.s32 $0x55600, s28;
	s9 =	sadd.s32 $0x5600, s11;
	s11 =	sshrl.u32 s13, $0x3  }
0x11: {  	s13 =	simm.s32 $0x1400;
	s22 =	sadd.s32 $0x280, s7;
	s23 =	sadd.s32 $0x280, s8  }
.LBB2_1:
0x12: {  	[spmem:s11], [sflag:s6] =	dma.local [hbm:s5], $0x2800  }
0x13: {  	_ =	swait.ge [sflag:s12], $0x2800  }
0x14: {  	[sflag:s12] =	ssyncset.done $0x0  }
0x15: {  	[sflag:s12] =	ssyncadd.s32 $0xFFFFD800  }
0x16: {  	[bflag:$0x0] =	sbarrier.arrive $0xFFFF  }
0x17: {  	[tilespmem:s4], [sflag:$0x3] =	stream.linear.gather [hbm4b:s7+s4], $0x1400, $0x38;
	[tilespmem:$0x1E800] =	vst v63  }
0x18: {  	_ =	swait.ge [sflag:s12], $0x1400  }
0x19: {  	[sflag:s12] =	ssyncset.done $0x0  }
0x1a: {  	[sflag:s12] =	ssyncadd.s32 $0xFFFFEC00  }
0x1b: {  	[tilespmem:s13], [sflag:$0x3] =	stream.linear.gather [hbm4b:s8+s4], $0x1400, $0x38;
	[tilespmem:$0x1E800] =	vst v63  }
0x1c: {  	_ =	swait.ge [sflag:s12], $0x1400  }
0x1d: {  	[sflag:s12] =	ssyncset.done $0x0  }
0x1e: {  	[sflag:s12] =	ssyncadd.s32 $0xFFFFEC00  }
0x1f: {  	[tilespmem:s15], [sflag:$0x1] =	stream.indirect.gather [hbm4b:s1+s14], $0x80, s4, s14, $0xb8;
	[tilespmem:$0x1E800] =	vst v63  }
0x20: {  	s25 =	simm.s32 $0x80  }
0x21: {  	[tilespmem:s16], [sflag:$0x2] =	stream.indirect.gather [hbm4b:s1+s14], $0x80, s25, s14, $0xb8;
	[tilespmem:$0x1E800] =	vst v63  }
0x22: {  	_ =	swait.ge [sflag:s17], $0x3E80  }
0x23: {  	[sflag:s17] =	ssyncset.done $0x0  }
0x24: {  	s29 =	simm.s32 $0x1400;
	[sflag:s17] =	ssyncadd.s32 $0xFFFFC180  }
0x25: {  	[spmem:s3] =	stream.indirect.scatter.add.f32 [tilespmem:s15], [sflag:$0x3], $0x80, s29, s14, $0xb8;
	[tilespmem:$0x1E800] =	vst v63  }
0x26: {  	_ =	swait.ge [sflag:s12], $0x3E80  }
0x27: {  	[sflag:s12] =	ssyncset.done $0x0  }
0x28: {  	s30 =	simm.s32 $0x100;
	[sflag:s12] =	ssyncadd.s32 $0xFFFFC180  }
0x29: {  	[tilespmem:s15], [sflag:$0x1] =	stream.indirect.gather [hbm4b:s1+s14], $0x80, s30, s14, $0xb8;
	[tilespmem:$0x1E800] =	vst v63  }
0x2a: {  	_ =	swait.ge [sflag:s18], $0x3E80  }
0x2b: {  	[sflag:s18] =	ssyncset.done $0x0  }
0x2c: {  	s31 =	simm.s32 $0x1480;
	[sflag:s18] =	ssyncadd.s32 $0xFFFFC180  }
0x2d: {  	[spmem:s3] =	stream.indirect.scatter.add.f32 [tilespmem:s16], [sflag:$0x3], $0x80, s31, s14, $0xb8;
	[tilespmem:$0x1E800] =	vst v63  }
0x2e: {  	_ =	swait.ge [sflag:s12], $0x3E80  }
0x2f: {  	s26 =	simm.s32 $0x800;
	s25 =	simm.s32 $0x100;
	[sflag:s12] =	ssyncset.done $0x0  }
.LBB2_2:
0x30: {  	s28 =	sadd.s32 $0x80, s25  }
0x31: {  	[sflag:s12] =	ssyncadd.s32 $0xFFFFC180;
	s29 =	smov.u32 s26;
	s30 =	sadd.s32 $0x400, s26  }
0x32: {  	[tilespmem:s16], [sflag:$0x2] =	stream.indirect.gather [hbm4b:s1+s14], $0x80, s28, s14, $0xb8;
	[tilespmem:$0x1E800] =	vst v63  }
0x33: {  	p0 =	sne.s32 s26, $0x4800;
	_ =	swait.ge [sflag:s17], $0x3E80  }
0x34: {  	[sflag:s17] =	ssyncset.done $0x0  }
0x35: {  	s26 =	sadd.s32 $0x1400, s25;
	[sflag:s17] =	ssyncadd.s32 $0xFFFFC180  }
0x36: {  	[spmem:s3] =	stream.indirect.scatter.add.f32 [tilespmem:s15], [sflag:$0x3], $0x80, s26, s14, $0xb8;
	[tilespmem:$0x1E800] =	vst v63  }
0x37: {  	_ =	swait.ge [sflag:s12], $0x3E80  }
0x38: {  	[sflag:s12] =	ssyncset.done $0x0  }
0x39: {  	s26 =	sadd.s32 $0x100, s25;
	[sflag:s12] =	ssyncadd.s32 $0xFFFFC180  }
0x3a: {  	[tilespmem:s15], [sflag:$0x1] =	stream.indirect.gather [hbm4b:s1+s14], $0x80, s26, s14, $0xb8;
	[tilespmem:$0x1E800] =	vst v63  }
0x3b: {  	_ =	swait.ge [sflag:s18], $0x3E80  }
.Ltmp0:
0x3c: {  	[sflag:s18] =	ssyncset.done $0x0;
	(pc) =	sbr.rel @p0 .LBB2_2-.Ltmp0, $4  }
0x3d: {  	s25 =	sadd.s32 $0x1480, s25;
	[sflag:s18] =	ssyncadd.s32 $0xFFFFC180  }
0x3e: {  	[spmem:s3] =	stream.indirect.scatter.add.f32 [tilespmem:s16], [sflag:$0x3], $0x80, s25, s14, $0xb8;
	[tilespmem:$0x1E800] =	vst v63  }
0x3f: {  	_ =	swait.ge [sflag:s12], $0x3E80  }
0x40: {  	s26 =	smov.u32 s30;
	s25 =	sshra.s32 s29, $0x2;
	[sflag:s12] =	ssyncset.done $0x0  }
0x41: {  	s26 =	sadd.s32 $0x80, s25;
	[sflag:s12] =	ssyncadd.s32 $0xFFFFC180  }
0x42: {  	[tilespmem:s16], [sflag:$0x2] =	stream.indirect.gather [hbm4b:s1+s14], $0x80, s26, s14, $0xb8;
	[tilespmem:$0x1E800] =	vst v63  }
0x43: {  	_ =	swait.ge [sflag:s17], $0x3E80  }
0x44: {  	[sflag:s17] =	ssyncset.done $0x0  }
0x45: {  	s29 =	sadd.s32 $0x1400, s25;
	[sflag:s17] =	ssyncadd.s32 $0xFFFFC180  }
0x46: {  	[spmem:s3] =	stream.indirect.scatter.add.f32 [tilespmem:s15], [sflag:$0x3], $0x80, s29, s14, $0xb8;
	[tilespmem:$0x1E800] =	vst v63  }
0x47: {  	_ =	swait.ge [sflag:s12], $0x3E80  }
0x48: {  	[sflag:s12] =	ssyncset.done $0x0  }
0x49: {  	s30 =	sadd.s32 $0x100, s25;
	[sflag:s12] =	ssyncadd.s32 $0xFFFFC180  }
0x4a: {  	[tilespmem:s15], [sflag:$0x1] =	stream.indirect.gather [hbm4b:s1+s14], $0x80, s30, s14, $0xb8;
	[tilespmem:$0x1E800] =	vst v63  }
0x4b: {  	_ =	swait.ge [sflag:s18], $0x3E80  }
0x4c: {  	[sflag:s18] =	ssyncset.done $0x0  }
0x4d: {  	s31 =	sadd.s32 $0x1480, s25;
	[sflag:s18] =	ssyncadd.s32 $0xFFFFC180  }
0x4e: {  	[spmem:s3] =	stream.indirect.scatter.add.f32 [tilespmem:s16], [sflag:$0x3], $0x80, s31, s14, $0xb8;
	[tilespmem:$0x1E800] =	vst v63  }
0x4f: {  	_ =	swait.ge [sflag:s12], $0x3E80  }
0x50: {  	[sflag:s12] =	ssyncset.done $0x0  }
0x51: {  	[sflag:s12] =	ssyncadd.s32 $0xFFFFC180  }
0x52: {  	[tilespmem:s16], [sflag:$0x2] =	stream.indirect.gather [hbm4b:s1+s14], $0x80, s19, s14, $0xb8;
	[tilespmem:$0x1E800] =	vst v63  }
0x53: {  	_ =	swait.ge [sflag:s17], $0x3E80  }
0x54: {  	[sflag:s17] =	ssyncset.done $0x0  }
0x55: {  	[sflag:s17] =	ssyncadd.s32 $0xFFFFC180  }
0x56: {  	[spmem:s3] =	stream.indirect.scatter.add.f32 [tilespmem:s15], [sflag:$0x3], $0x80, s20, s14, $0xb8;
	[tilespmem:$0x1E800] =	vst v63  }
0x57: {  	_ =	swait.ge [sflag:s12], $0x3E80  }
0x58: {  	[sflag:s12] =	ssyncset.done $0x0  }
0x59: {  	[sflag:s12] =	ssyncadd.s32 $0xFFFFC180  }
0x5a: {  	_ =	swait.ge [sflag:s18], $0x3E80  }
0x5b: {  	[sflag:s18] =	ssyncset.done $0x0  }
0x5c: {  	[sflag:s18] =	ssyncadd.s32 $0xFFFFC180  }
0x5d: {  	[spmem:s3] =	stream.indirect.scatter.add.f32 [tilespmem:s16], [sflag:$0x3], $0x80, s21, s14, $0xb8;
	[tilespmem:$0x1E800] =	vst v63  }
0x5e: {  	_ =	swait.ge [sflag:s12], $0x3E80  }
0x5f: {  	[sflag:s12] =	ssyncset.done $0x0  }
0x60: {  	s26 =	simm.s32 $0x0;
	[sflag:s12] =	ssyncadd.s32 $0xFFFFC180  }
0x61: {  	[tilespmem:s26], [sflag:$0x3] =	stream.linear.gather [hbm4b:s22+s26], $0x1400, $0x38;
	[tilespmem:$0x1E800] =	vst v63  }
0x62: {  	_ =	swait.ge [sflag:s12], $0x1400  }
0x63: {  	[sflag:s12] =	ssyncset.done $0x0  }
0x64: {  	[sflag:s12] =	ssyncadd.s32 $0xFFFFEC00  }
0x65: {  	[tilespmem:s13], [sflag:$0x3] =	stream.linear.gather [hbm4b:s23+s26], $0x1400, $0x38;
	[tilespmem:$0x1E800] =	vst v63  }
0x66: {  	_ =	swait.ge [sflag:s12], $0x1400  }
0x67: {  	[sflag:s12] =	ssyncset.done $0x0  }
0x68: {  	[sflag:s12] =	ssyncadd.s32 $0xFFFFEC00  }
0x69: {  	[tilespmem:s15], [sflag:$0x1] =	stream.indirect.gather [hbm4b:s1+s14], $0x80, s26, s14, $0xb8;
	[tilespmem:$0x1E800] =	vst v63  }
0x6a: {  	s28 =	simm.s32 $0x80  }
0x6b: {  	[tilespmem:s16], [sflag:$0x2] =	stream.indirect.gather [hbm4b:s1+s14], $0x80, s28, s14, $0xb8;
	[tilespmem:$0x1E800] =	vst v63  }
0x6c: {  	_ =	swait.ge [sflag:s17], $0x3E80  }
0x6d: {  	[sflag:s17] =	ssyncset.done $0x0  }
0x6e: {  	s29 =	simm.s32 $0x1400;
	[sflag:s17] =	ssyncadd.s32 $0xFFFFC180  }
0x6f: {  	[spmem:s3] =	stream.indirect.scatter.add.f32 [tilespmem:s15], [sflag:$0x3], $0x80, s29, s14, $0xb8;
	[tilespmem:$0x1E800] =	vst v63  }
0x70: {  	_ =	swait.ge [sflag:s12], $0x3E80  }
0x71: {  	[sflag:s12] =	ssyncset.done $0x0  }
0x72: {  	s30 =	simm.s32 $0x100;
	[sflag:s12] =	ssyncadd.s32 $0xFFFFC180  }
0x73: {  	[tilespmem:s15], [sflag:$0x1] =	stream.indirect.gather [hbm4b:s1+s14], $0x80, s30, s14, $0xb8;
	[tilespmem:$0x1E800] =	vst v63  }
0x74: {  	_ =	swait.ge [sflag:s18], $0x3E80  }
0x75: {  	[sflag:s18] =	ssyncset.done $0x0  }
0x76: {  	s31 =	simm.s32 $0x1480;
	[sflag:s18] =	ssyncadd.s32 $0xFFFFC180  }
0x77: {  	[spmem:s3] =	stream.indirect.scatter.add.f32 [tilespmem:s16], [sflag:$0x3], $0x80, s31, s14, $0xb8;
	[tilespmem:$0x1E800] =	vst v63  }
0x78: {  	_ =	swait.ge [sflag:s12], $0x3E80  }
0x79: {  	s25 =	simm.s32 $0x100;
	s26 =	simm.s32 $0x800;
	[sflag:s12] =	ssyncset.done $0x0  }
.LBB2_4:
0x7a: {  	s28 =	sadd.s32 $0x80, s25  }
0x7b: {  	[sflag:s12] =	ssyncadd.s32 $0xFFFFC180;
	s29 =	smov.u32 s26;
	s30 =	sadd.s32 $0x400, s26  }
0x7c: {  	[tilespmem:s16], [sflag:$0x2] =	stream.indirect.gather [hbm4b:s1+s14], $0x80, s28, s14, $0xb8;
	[tilespmem:$0x1E800] =	vst v63  }
0x7d: {  	p0 =	sne.s32 s26, $0x4800;
	_ =	swait.ge [sflag:s17], $0x3E80  }
0x7e: {  	[sflag:s17] =	ssyncset.done $0x0  }
0x7f: {  	s26 =	sadd.s32 $0x1400, s25;
	[sflag:s17] =	ssyncadd.s32 $0xFFFFC180  }
0x80: {  	[spmem:s3] =	stream.indirect.scatter.add.f32 [tilespmem:s15], [sflag:$0x3], $0x80, s26, s14, $0xb8;
	[tilespmem:$0x1E800] =	vst v63  }
0x81: {  	_ =	swait.ge [sflag:s12], $0x3E80  }
0x82: {  	[sflag:s12] =	ssyncset.done $0x0  }
0x83: {  	s26 =	sadd.s32 $0x100, s25;
	[sflag:s12] =	ssyncadd.s32 $0xFFFFC180  }
0x84: {  	[tilespmem:s15], [sflag:$0x1] =	stream.indirect.gather [hbm4b:s1+s14], $0x80, s26, s14, $0xb8;
	[tilespmem:$0x1E800] =	vst v63  }
0x85: {  	_ =	swait.ge [sflag:s18], $0x3E80  }
.Ltmp1:
0x86: {  	[sflag:s18] =	ssyncset.done $0x0;
	(pc) =	sbr.rel @p0 .LBB2_4-.Ltmp1, $4  }
0x87: {  	s25 =	sadd.s32 $0x1480, s25;
	[sflag:s18] =	ssyncadd.s32 $0xFFFFC180  }
0x88: {  	[spmem:s3] =	stream.indirect.scatter.add.f32 [tilespmem:s16], [sflag:$0x3], $0x80, s25, s14, $0xb8;
	[tilespmem:$0x1E800] =	vst v63  }
0x89: {  	_ =	swait.ge [sflag:s12], $0x3E80  }
0x8a: {  	s26 =	smov.u32 s30;
	s25 =	sshra.s32 s29, $0x2;
	[sflag:s12] =	ssyncset.done $0x0  }
0x8b: {  	s26 =	sadd.s32 $0x80, s25;
	[sflag:s12] =	ssyncadd.s32 $0xFFFFC180  }
0x8c: {  	[tilespmem:s16], [sflag:$0x2] =	stream.indirect.gather [hbm4b:s1+s14], $0x80, s26, s14, $0xb8;
	[tilespmem:$0x1E800] =	vst v63  }
0x8d: {  	_ =	swait.ge [sflag:s17], $0x3E80  }
0x8e: {  	[sflag:s17] =	ssyncset.done $0x0  }
0x8f: {  	s29 =	sadd.s32 $0x1400, s25;
	[sflag:s17] =	ssyncadd.s32 $0xFFFFC180  }
0x90: {  	[spmem:s3] =	stream.indirect.scatter.add.f32 [tilespmem:s15], [sflag:$0x3], $0x80, s29, s14, $0xb8;
	[tilespmem:$0x1E800] =	vst v63  }
0x91: {  	_ =	swait.ge [sflag:s12], $0x3E80  }
0x92: {  	[sflag:s12] =	ssyncset.done $0x0  }
0x93: {  	s30 =	sadd.s32 $0x100, s25;
	[sflag:s12] =	ssyncadd.s32 $0xFFFFC180  }
0x94: {  	[tilespmem:s15], [sflag:$0x1] =	stream.indirect.gather [hbm4b:s1+s14], $0x80, s30, s14, $0xb8;
	[tilespmem:$0x1E800] =	vst v63  }
0x95: {  	_ =	swait.ge [sflag:s18], $0x3E80  }
0x96: {  	[sflag:s18] =	ssyncset.done $0x0  }
0x97: {  	s31 =	sadd.s32 $0x1480, s25;
	[sflag:s18] =	ssyncadd.s32 $0xFFFFC180  }
0x98: {  	[spmem:s3] =	stream.indirect.scatter.add.f32 [tilespmem:s16], [sflag:$0x3], $0x80, s31, s14, $0xb8;
	[tilespmem:$0x1E800] =	vst v63  }
0x99: {  	_ =	swait.ge [sflag:s12], $0x3E80  }
0x9a: {  	[sflag:s12] =	ssyncset.done $0x0  }
0x9b: {  	[sflag:s12] =	ssyncadd.s32 $0xFFFFC180  }
0x9c: {  	[tilespmem:s16], [sflag:$0x2] =	stream.indirect.gather [hbm4b:s1+s14], $0x80, s19, s14, $0xb8;
	[tilespmem:$0x1E800] =	vst v63  }
0x9d: {  	_ =	swait.ge [sflag:s17], $0x3E80  }
0x9e: {  	[sflag:s17] =	ssyncset.done $0x0  }
0x9f: {  	[sflag:s17] =	ssyncadd.s32 $0xFFFFC180  }
0xa0: {  	[spmem:s3] =	stream.indirect.scatter.add.f32 [tilespmem:s15], [sflag:$0x3], $0x80, s20, s14, $0xb8;
	[tilespmem:$0x1E800] =	vst v63  }
0xa1: {  	_ =	swait.ge [sflag:s12], $0x3E80  }
0xa2: {  	[sflag:s12] =	ssyncset.done $0x0  }
0xa3: {  	[sflag:s12] =	ssyncadd.s32 $0xFFFFC180  }
0xa4: {  	_ =	swait.ge [sflag:s18], $0x3E80  }
0xa5: {  	[sflag:s18] =	ssyncset.done $0x0  }
0xa6: {  	[sflag:s18] =	ssyncadd.s32 $0xFFFFC180  }
0xa7: {  	[spmem:s3] =	stream.indirect.scatter.add.f32 [tilespmem:s16], [sflag:$0x3], $0x80, s21, s14, $0xb8;
	[tilespmem:$0x1E800] =	vst v63  }
0xa8: {  	_ =	swait.ge [sflag:s12], $0x3E80  }
0xa9: {  	s24 =	sadd.s32 $0x1, s24;
	[sflag:s12] =	ssyncset.done $0x0  }
0xaa: {  	p0 =	sne.s32 s24, s10;
	[sflag:s12] =	ssyncadd.s32 $0xFFFFC180  }
.Ltmp2:
0xab: {  	[bflag:$0x0] =	sbarrier.arrive $0xFFFF;
	(pc) =	sbr.rel @p0 .LBB2_1-.Ltmp2, $4  }
0xac: {  	[hbm:s9], [sflag:s6] =	dma.local [spmem:s11], $0x2800  }
0xad: {  	_ =	swait.ge [sflag:s12], $0x2800  }
0xae: {  	[sflag:s12] =	ssyncset.done $0x0  }
0xaf: {  	[sflag:s12] =	ssyncadd.s32 $0xFFFFD800  }
0xb0: {  	_ =	sfence.sel $0x180000  }
0xb1: {  	[bflag:$0x0] =	sbarrier.arrive $0xFFFF  }
0xb2: {  	p0 =	sne.s32 s2, $0x0;
	_ =	strace $0x9000004D  }
0xb3: {  	s0 =	sadd.s32 @!p0 $0x100000, s0;
	[bflag:$0x2] =	sbarrier.arrive $0xFFFF  }
0xb4: {  	[sflag:s0] =	ssyncadd.tile.s32 @!p0 $0x1;
	_ =	shalt  }
.Lfunc_end2:
_tile_overlayer_lowered:
.L_overlay_start_2:
0xb5: {  	(tag) =	ssettag $0x2  }
0xb6: {  	s0 =	rddreg [dreg:$0x0];
	s2 =	stileid.u32  }
0xb7: {  	s1 =	rddreg [dreg:$0x1];
	p0 =	sne.s32 s2, $0x0  }
0xb8: {  	s3 =	rddreg [dreg:$0x2];
	[bflag:$0x3] =	sbarrier.arrive $0xFFFF;
	s2 =	simm.s32 @!p0 $0x1C03  }
0xb9: {  	[timem:s3], [sflag:s2] =	dma.local @!p0 [hbm:s0], s1  }
0xba: {  	s0 =	simm.s32 @!p0 $0x3  }
0xbb: {  	_ =	swait.ge @!p0 [sflag:s0], s1  }
0xbc: {  	s1 =	ssub.s32 @!p0 $0x0, s1;
	[sflag:s0] =	ssyncset.done @!p0 $0x0  }
0xbd: {  	[sflag:s0] =	ssyncadd.s32 @!p0 s1  }
0xbe: {  	[bflag:$0x3] =	sbarrier.arrive $0xFFFF  }
0xbf: {  	_ =	shalt  }

// kernel: kernel.8.cloned.1.call-start
scs
__scs_entry_jumppad:
0x0: {  	(pc) =	sbr.rel $0x88, $3  }
0x1: {  	(tag) =	ssettag $0x0;
	lr =	simm.s32 $0x1  }
0x2: {  	[smem:$0x3F9B] =	sst lr;
	_ =	strace $0xD0000000  }
0x3: {  	_ = 	snop  }
0x4: {  	_ = 	snop  }
0x5: {  	_ = 	snop  }
0x6: {  	_ = 	snop  }
0x7: {  	_ = 	snop  }
__scs_overlays_trampoline_lowered:
0x8: {  	[smem:$0x3FAA] =	sst s0  }
0x9: {  	[smem:$0x3FAB] =	sst s1  }
0xa: {  	[smem:$0x3FAC] =	sst s2  }
0xb: {  	[smem:$0x3FAD] =	sst s3  }
0xc: {  	[smem:$0x3FAE] =	sst s4  }
0xd: {  	[smem:$0x3FAF] =	sst s5  }
0xe: {  	[smem:$0x3FB0] =	sst s6  }
0xf: {  	[smem:$0x3FB1] =	sst s7  }
0x10: {  	[smem:$0x3FB2] =	sst s8  }
0x11: {  	[smem:$0x3FB3] =	sst s9;
	s0 =	simm.s32 @!p0 $0x0  }
0x12: {  	s1 =	sld [smem:$0x3F99];
	s0 =	simm.s32 @p0 $0x1  }
0x13: {  	[smem:$0x3FB4] =	sst s0;
	s0 =	simm.s32 @!p1 $0x0  }
0x14: {  	s2 =	sld [smem:$0x3F98];
	s0 =	simm.s32 @p1 $0x1  }
0x15: {  	[smem:$0x3FB5] =	sst s0;
	s0 =	simm.s32 @!p2 $0x0  }
0x16: {  	s3 =	sld [smem:$0x3FDB];
	s0 =	simm.s32 @p2 $0x1  }
0x17: {  	s4 =	simm.s32 $0x1BF5;
	[smem:$0x3FB7] =	sst s0  }
0x18: {  	s0 =	sld [smem:$0x3F9A];
	_ =	swait.ge [sflag:s4], $0x0  }
0x19: {  	s7 =	sld [smem:$0x3F9B]  }
0x1a: {  	s8 =	sadd.s32 $0xFFFFE003, lr  }
0x1b: {  	s9 =	sadd.s32 $0xFFFFFEF7, lr;
	s5 =	simm.s32 $0xFFFFFFFF;
	p2 =	slt.u32 s8, $0xFFFFF086  }
0x1c: {  	p1 =	slt.u32 s9, $0xF7A;
	s5 =	simm.s32 @!p2 $0x0  }
0x1d: {  	s5 =	simm.s32 @p1 $0x1;
	p0 =	seq.s32 s7, s2  }
0x1e: {  	s7 =	smul.u32 @!p0 $0xF7A, s2;
	p2 =	seq.s32 @!p0 s5, $0x0  }
0x1f: {  	s9 =	smul.u32 $0xF7A, s1;
	s8 =	simm.s32 @!p0 $0x1BF5;
	p2 =	por !p2, p0  }
0x20: {  	[sflag:s8] =	ssyncset.s32 @!p0 $0xFFFFF086;
	s6 =	sadd.s32 @!p0 s3, s7;
	s7 =	simm.s32 @!p0 $0x108  }
0x21: {  	s3 =	sadd.s32 s3, s9;
	s6 =	sadd.s32 @!p0 $0x88, s6;
	s7 =	simm.s32 @p2 $0x1082  }
0x22: {  	[simem:s7], [sflag:s8] =	dma.local @!p0 [hbm:s6], $0xF7A  }
0x23: {  	s9 =	sor.u32 $0xD0000000, s2;
	s6 =	simm.s32 $0x108;
	_ =	swait.ge @!p0 [sflag:s8], $0x0  }
0x24: {  	s3 =	sadd.s32 $0x88, s3;
	s6 =	simm.s32 @!p1 $0x1082;
	[sflag:s4] =	ssyncset.s32 $0xFFFFF086  }
0x25: {  	[simem:s6], [sflag:s4] =	dma.local [hbm:s3], $0xF7A  }
0x26: {  	[smem:$0x3F9B] =	sst s1;
	(tag) =	ssettag s2;
	_ =	strace s9  }
0x27: {  	s1 =	sld [smem:$0x3FAB]  }
0x28: {  	s2 =	sld [smem:$0x3FAC]  }
0x29: {  	s4 =	sld [smem:$0x3FAE]  }
0x2a: {  	p0 =	seq.s32 s5, $0x0;
	s5 =	sld [smem:$0x3FAF]  }
0x2b: {  	s6 =	sld [smem:$0x3FB0]  }
0x2c: {  	s7 =	sld [smem:$0x3FB1]  }
0x2d: {  	s3 =	simm.s32 $0x108;
	s8 =	sld [smem:$0x3FB2]  }
0x2e: {  	s3 =	simm.s32 @!p0 $0x1082;
	s9 =	sld [smem:$0x3FB3]  }
0x2f: {  	lr =	sadd.s32 s0, s3;
	s0 =	sld [smem:$0x3FAA]  }
0x30: {  	s3 =	sld [smem:$0x3FAD]  }
0x31: {  	[smem:$0x3FB6] =	sst s10  }
0x32: {  	s10 =	sld [smem:$0x3FB4];
	_ =	sdelay $0x3  }
0x33: {  	p0 =	seq.s32 s10, $0x1;
	s10 =	sld [smem:$0x3FB6];
	_ =	sdelay $0x3  }
0x34: {  	[smem:$0x3FB6] =	sst s10  }
0x35: {  	s10 =	sld [smem:$0x3FB5];
	_ =	sdelay $0x3  }
0x36: {  	p1 =	seq.s32 s10, $0x1;
	s10 =	sld [smem:$0x3FB6];
	_ =	sdelay $0x3  }
0x37: {  	[smem:$0x3FB6] =	sst s10  }
0x38: {  	s10 =	sld [smem:$0x3FB7]  }
0x39: {  	_ = 	snop;
	(pc) =	sbr.ind lr, $3  }
0x3a: {  	_ = 	snop  }
0x3b: {  	_ = 	snop  }
0x3c: {  	p2 =	seq.s32 s10, $0x1;
	s10 =	sld [smem:$0x3FB6]  }
0x3d: {  	_ =	shalt  }
0x3e: {  	_ =	shalt  }
0x3f: {  	_ =	shalt  }
0x40: {  	_ =	shalt  }
0x41: {  	_ =	shalt  }
0x42: {  	_ =	shalt  }
0x43: {  	_ =	shalt  }
0x44: {  	_ =	shalt  }
0x45: {  	_ =	shalt  }
0x46: {  	_ =	shalt  }
0x47: {  	_ =	shalt  }
0x48: {  	_ =	shalt  }
0x49: {  	_ =	shalt  }
0x4a: {  	_ =	shalt  }
0x4b: {  	_ =	shalt  }
0x4c: {  	_ =	shalt  }
0x4d: {  	_ =	shalt  }
0x4e: {  	_ =	shalt  }
0x4f: {  	_ =	shalt  }
0x50: {  	_ =	shalt  }
0x51: {  	_ =	shalt  }
0x52: {  	_ =	shalt  }
0x53: {  	_ =	shalt  }
0x54: {  	_ =	shalt  }
0x55: {  	_ =	shalt  }
0x56: {  	_ =	shalt  }
0x57: {  	_ =	shalt  }
0x58: {  	_ =	shalt  }
0x59: {  	_ =	shalt  }
0x5a: {  	_ =	shalt  }
0x5b: {  	_ =	shalt  }
0x5c: {  	_ =	shalt  }
0x5d: {  	_ =	shalt  }
0x5e: {  	_ =	shalt  }
0x5f: {  	_ =	shalt  }
0x60: {  	_ =	shalt  }
0x61: {  	_ =	shalt  }
0x62: {  	_ =	shalt  }
0x63: {  	_ =	shalt  }
0x64: {  	_ =	shalt  }
0x65: {  	_ =	shalt  }
0x66: {  	_ =	shalt  }
0x67: {  	_ =	shalt  }
0x68: {  	_ =	shalt  }
0x69: {  	_ =	shalt  }
0x6a: {  	_ =	shalt  }
0x6b: {  	_ =	shalt  }
0x6c: {  	_ =	shalt  }
0x6d: {  	_ =	shalt  }
0x6e: {  	_ =	shalt  }
0x6f: {  	_ =	shalt  }
0x70: {  	_ =	shalt  }
0x71: {  	_ =	shalt  }
0x72: {  	_ =	shalt  }
0x73: {  	_ =	shalt  }
0x74: {  	_ =	shalt  }
0x75: {  	_ =	shalt  }
0x76: {  	_ =	shalt  }
0x77: {  	_ =	shalt  }
0x78: {  	_ =	shalt  }
0x79: {  	_ =	shalt  }
0x7a: {  	_ =	shalt  }
0x7b: {  	_ =	shalt  }
0x7c: {  	_ =	shalt  }
0x7d: {  	_ =	shalt  }
0x7e: {  	_ =	shalt  }
0x7f: {  	_ =	shalt  }
0x80: {  	_ =	shalt  }
0x81: {  	_ =	shalt  }
0x82: {  	_ =	shalt  }
0x83: {  	_ =	shalt  }
0x84: {  	_ =	shalt  }
0x85: {  	_ =	shalt  }
0x86: {  	_ =	shalt  }
0x87: {  	_ =	shalt  }
.Lfunc_end0:
.L_simem_size_0:
called_computation_lowered:
.L_overlay_start_0:
0x88: {  	s2 =	sld [smem:$0x3FD9]  }
0x89: {  	s3 =	sld [smem:$0x3FFE];
	_ =	sdelay $0x1  }
0x8a: {  	s1 =	srdreg.scid  }
0x8b: {  	s0 =	sand.u32 $0x1, s1  }
0x8c: {  	s17 =	sshll.u32 s0, $0xA;
	s2 =	sadd.s32 s3, s2  }
0x8d: {  	s2 =	sadd.s32 s2, s17  }
0x8e: {  	[smem:$0x3FC2] =	sst s2  }
0x8f: {  	_ = 	snop  }
0x90: {  	s2 =	sld [smem:$0x3FD0];
	(tm) =	ssettm $0x1  }
0x91: {  	s18 =	sld [smem:$0x3FFB];
	_ =	sdelay $0x3  }
0x92: {  	_ =	strace s18  }
0x93: {  	s3 =	sld [smem:$0x3FFC];
	_ =	sdelay $0x3  }
0x94: {  	_ =	strace s3  }
0x95: {  	s3 =	sld [smem:$0x3FFD];
	_ =	sdelay $0x3  }
0x96: {  	_ =	strace s3  }
0x97: {  	_ =	strace $0x8FFFFFFF  }
0x98: {  	s19 =	sld [smem:$0x3FDB];
	_ =	sdelay $0x1  }
0x99: {  	s4 =	simm.s32 $_scs_section_size  }
0x9a: {  	s5 =	simm.s32 $_size__tile_overlayer_lowered;
	s6 =	simm.s32 $_tile_overlayer_lowered  }
0x9b: {  	s22 =	simm.s32 $0x1BFF;
	s21 =	sshll.u32 s6, $0x1;
	s3 =	sadd.s32 s4, s19  }
0x9c: {  	s7 =	simm.s32 $0x0;
	s20 =	sshll.u32 s5, $0x1;
	s5 =	sadd.s32 s21, s3  }
0x9d: {  	[timem:s7], [sflag:s22] =	dma.local [hbm:s5], s20  }
0x9e: {  	_ =	swait.ge [sflag:s22], s20  }
0x9f: {  	s4 =	ssub.s32 $0x0, s20;
	[sflag:s22] =	ssyncset.done $0x0  }
0xa0: {  	[sflag:s22] =	ssyncadd.s32 s4;
	_ =	sdelay $0x1  }
0xa1: {  	s23 =	simm.s32 $0x1B8B  }
0xa2: {  	_ =	swait.ge [sflag:s23], $0x1  }
0xa3: {  	[sflag:s23] =	ssyncset.done $0x0  }
0xa4: {  	s25 =	simm.s32 $0x1B8E;
	s24 =	sld [smem:$0x3FFE];
	[sflag:s23] =	ssyncadd.s32 $0xFFFFFFFF  }
0xa5: {  	s26 =	simm.s32 $execute0_lowered;
	[smem:$0x3FD2] =	sst s25  }
0xa6: {  	s5 =	sshll.u32 s26, $0x1;
	_ =	strace $0x80000046;
	[dreg:$0x1] =	wrdreg $0xFFFFFFFF  }
0xa7: {  	s28 =	simm.s32 $_size_execute0_lowered;
	s3 =	sadd.s32 s3, s5;
	[dreg:$0x0] =	wrdreg $0x0  }
0xa8: {  	s5 =	sshll.u32 s28, $0x1;
	[dreg:$0x2] =	wrdreg s3  }
0xa9: {  	[dreg:$0x3] =	wrdreg s5  }
0xaa: {  	[dreg:$0x4] =	wrdreg $0xC0  }
0xab: {  	_ =	task [dreg:s7], $0x5FFFF  }
0xac: {  	[dreg:$0x1] =	wrdreg $0xFFFFFFFF  }
0xad: {  	[dreg:$0x0] =	wrdreg $0x60  }
0xae: {  	[dreg:$0x2] =	wrdreg s2  }
0xaf: {  	[dreg:$0x3] =	wrdreg s24  }
0xb0: {  	[dreg:$0x4] =	wrdreg $0x68000  }
0xb1: {  	[dreg:$0x5] =	wrdreg $0x9  }
0xb2: {  	_ =	task.clear_ibuf [dreg:s7], $0x6FFFF;
	_ =	strace $0x90000046  }
0xb3: {  	s29 =	simm.s32 $0x9;
	_ =	strace $0x80000048  }
0xb4: {  	_ =	swait.ge [sflag:s29], $0x1  }
0xb5: {  	[sflag:s29] =	ssyncadd.s32 $0xFFFFFFFF  }
0xb6: {  	_ =	strace $0x90000048  }
0xb7: {  	_ =	sfence  }
0xb8: {  	s30 =	sld [smem:$0x0];
	_ =	sdelay $0x2  }
0xb9: {  	s31 =	sshll.u32 s1, $0xD;
	s1 =	sshrl.u32 s1, $0x2  }
0xba: {  	s3 =	sand.u32 $0x4000, s31;
	s1 =	sadd.s32 s1, s30  }
0xbb: {  	s0 =	sor.u32 s3, s0;
	s1 =	sshll.u32 s1, $0x11  }
0xbc: {  	s0 =	sor.u32 s1, s0  }
0xbd: {  	s0 =	sadd.s32 $0x8F2B, s0  }
0xbe: {  	[sflag:s0] =	ssyncadd.remote.s32 $0x1  }
0xbf: {  	_ =	sfence.sel $0xFFFF  }
0xc0: {  	[dreg:$0x0] =	wrdreg $0xFFFFFFFF;
	(pc) =	sbr.abs _section_cstart, $3  }
0xc1: {  	[dreg:$0x1] =	wrdreg $0xFFFFFFFF  }
0xc2: {  	_ =	task.clear_ibuf [dreg:s7], $0x2FFFF;
	_ =	strace $0x9FFFFFFF  }
0xc3: {  	(tm) =	ssettm $0x7FFFFFFF  }
tec
execute0_lowered:
.L_overlay_start_1:
0x0: {  	(tag) =	ssettag $0x1  }
0x1: {  	s6 =	rddreg [dreg:$0x0]  }
0x2: {  	s7 =	rddreg [dreg:$0x1]  }
0x3: {  	s1 =	rddreg [dreg:$0x2]  }
0x4: {  	s0 =	rddreg [dreg:$0x3];
	s3 =	simm.s32 $0x0;
	s2 =	srdreg.scid  }
0x5: {  	s13 =	simm.s32 $0x7D;
	[smem:$0x7FF] =	sst s3;
	s8 =	sand.u32 $0x1, s2  }
0x6: {  	s14 =	simm.s32 $0x0;
	s2 =	stileid.u32;
	s9 =	smul.u32 $0x140000, s8  }
0x7: {  	s4 =	sadd.s32 $0x2600, s7;
	s5 =	sadd.s32 $0x2E00, s7;
	s10 =	smul.u32 $0x14000, s2  }
0x8: {  	_ =	strace $0x80000047;
	s11 =	sshll.u32 s8, $0x4;
	s29 =	smul.u32 $0x50000, s2  }
0x9: {  	s8 =	ssub.s32 $0x2, s8;
	s31 =	sshll.u32 s2, $0x6;
	s28 =	sor.u32 s2, s11  }
0xa: {  	s30 =	sshrl.u32 s8, $0x1;
	s9 =	sadd.s32 s10, s9;
	s10 =	smul.u32 $0x500, s28  }
0xb: {  	s11 =	sshrl.u32 s29, $0x2;
	s8 =	ssub.s32 s8, s30;
	s9 =	sshrl.u32 s9, $0x3  }
0xc: {  	s12 =	sadd.s32 s11, s1;
	s8 =	smax.u32 s8, $0x1;
	s11 =	sor.u32 $0x1C01, s31  }
0xd: {  	s7 =	sadd.s32 s9, s7;
	s6 =	sadd.s32 s6, s10;
	s9 =	simm.s32 $0x1  }
0xe: {  	s10 =	simm.s32 $0x2800;
	s12 =	sshrl.u32 s12, $0x3;
	s7 =	sadd.s32 $0x5600, s7  }
.LBB2_1:
0xf: {  	[tilespmem:s3], [sflag:$0x1] =	stream.linear.gather [hbm4b:s6+s3], $0x2800, $0x38;
	[tilespmem:$0x1A800] =	vst v63  }
0x10: {  	_ =	swait.ge [sflag:s9], $0x2800  }
0x11: {  	[sflag:s9] =	ssyncset.done $0x0  }
0x12: {  	[sflag:s9] =	ssyncadd.s32 $0xFFFFD800  }
0x13: {  	[tilespmem:s10], [sflag:$0x1] =	stream.linear.gather [hbm4b:s4+s3], $0x3E80, $0x38;
	[tilespmem:$0x1A800] =	vst v63  }
0x14: {  	_ =	swait.ge [sflag:s9], $0x3E80  }
0x15: {  	[sflag:s9] =	ssyncset.done $0x0  }
0x16: {  	[sflag:s9] =	ssyncadd.s32 $0xFFFFC180  }
0x17: {  	[spmem:s12], [sflag:s11] =	dma.local [hbm:s5], $0x2800  }
0x18: {  	_ =	swait.ge [sflag:s9], $0x2800  }
0x19: {  	[sflag:s9] =	ssyncset.done $0x0  }
0x1a: {  	[sflag:s9] =	ssyncadd.s32 $0xFFFFD800  }
0x1b: {  	s15 =	simm.s32 $0x0;
	[bflag:$0x0] =	sbarrier.arrive $0xFFFF  }
0x1c: {  	[spmem:s1] =	stream.indirect.scatter.add.f32 [tilespmem:s10], [sflag:$0x1], $0x80, s15, s13, $0xb8;
	[tilespmem:$0x1A800] =	vst v63  }
0x1d: {  	_ =	swait.ge [sflag:s9], $0x3E80  }
0x1e: {  	s15 =	simm.s32 $0x200;
	[sflag:s9] =	ssyncset.done $0x0  }
.LBB2_2:
0x1f: {  	s16 =	sshra.s32 s15, $0x2;
	[sflag:s9] =	ssyncadd.s32 $0xFFFFC180;
	p0 =	sne.s32 s15, $0x9E00  }
0x20: {  	[spmem:s1] =	stream.indirect.scatter.add.f32 [tilespmem:s10], [sflag:$0x1], $0x80, s16, s13, $0xb8;
	[tilespmem:$0x1A800] =	vst v63  }
.Ltmp0:
0x21: {  	_ = 	snop;
	(pc) =	sbr.rel @p0 .LBB2_2-.Ltmp0, $4  }
0x22: {  	_ = 	snop  }
0x23: {  	s15 =	sadd.s32 $0x200, s15  }
0x24: {  	_ =	swait.ge [sflag:s9], $0x3E80  }
0x25: {  	[sflag:s9] =	ssyncset.done $0x0  }
0x26: {  	s14 =	sadd.s32 $0x1, s14  }
0x27: {  	[sflag:s9] =	ssyncadd.s32 $0xFFFFC180;
	p0 =	sne.s32 s14, s8  }
.Ltmp1:
0x28: {  	[bflag:$0x0] =	sbarrier.arrive $0xFFFF;
	(pc) =	sbr.rel @p0 .LBB2_1-.Ltmp1, $4  }
0x29: {  	[hbm:s7], [sflag:s11] =	dma.local [spmem:s12], $0x2800  }
0x2a: {  	_ =	swait.ge [sflag:s9], $0x2800  }
0x2b: {  	[sflag:s9] =	ssyncset.done $0x0  }
0x2c: {  	[sflag:s9] =	ssyncadd.s32 $0xFFFFD800  }
0x2d: {  	_ =	sfence.sel $0x180000  }
0x2e: {  	[bflag:$0x0] =	sbarrier.arrive $0xFFFF  }
0x2f: {  	p0 =	sne.s32 s2, $0x0;
	_ =	strace $0x90000047  }
0x30: {  	s0 =	sadd.s32 @!p0 $0x100000, s0;
	[bflag:$0x2] =	sbarrier.arrive $0xFFFF  }
0x31: {  	[sflag:s0] =	ssyncadd.tile.s32 @!p0 $0x1;
	_ =	shalt  }
.Lfunc_end2:
_tile_overlayer_lowered:
.L_overlay_start_2:
0x32: {  	(tag) =	ssettag $0x2  }
0x33: {  	s0 =	rddreg [dreg:$0x0];
	s2 =	stileid.u32  }
0x34: {  	s1 =	rddreg [dreg:$0x1];
	p0 =	sne.s32 s2, $0x0  }
0x35: {  	s3 =	rddreg [dreg:$0x2];
	[bflag:$0x3] =	sbarrier.arrive $0xFFFF;
	s2 =	simm.s32 @!p0 $0x1C01  }
0x36: {  	[timem:s3], [sflag:s2] =	dma.local @!p0 [hbm:s0], s1  }
0x37: {  	s0 =	simm.s32 @!p0 $0x1  }
0x38: {  	_ =	swait.ge @!p0 [sflag:s0], s1  }
0x39: {  	s1 =	ssub.s32 @!p0 $0x0, s1;
	[sflag:s0] =	ssyncset.done @!p0 $0x0  }
0x3a: {  	[sflag:s0] =	ssyncadd.s32 @!p0 s1  }
0x3b: {  	[bflag:$0x3] =	sbarrier.arrive $0xFFFF  }
0x3c: {  	_ =	shalt  }

</sc_bundles>
